<compile_context>
chip_gen: v7x
topology: tpu7x:2x2x1
jax: 0.10.2.dev20260603
libtpu: 0.0.44.dev20260713+nightly
codegen_flags: <defaults>
</compile_context>

<pallas_src>
import jax
import jax.numpy as jnp
from jax import lax
from jax.experimental import pallas as pl
from jax.experimental.pallas import tpu as pltpu
from jax.experimental.pallas import tpu_sc as plsc

N_GRAPHS = 4096
N_NODES = 32
WINDOW = 128
N_EDGES = 194
GRAPHS_PER_BLOCK = 128
ROWS_PER_BLOCK = GRAPHS_PER_BLOCK * N_NODES
GRID = N_GRAPHS // GRAPHS_PER_BLOCK

_LANES = 16
_CELLS = N_NODES * N_NODES
_CHUNKS = (256 + _LANES - 1) // _LANES



def _sc_adj_body(ei_hbm, ew_hbm, out_hbm, src_v, dst_v, ew_v, acc_v, fin_v):
    wid = lax.axis_index("s") * 2 + lax.axis_index("c")

    @pl.when(wid == 0)
    def _():
        pltpu.sync_copy(ei_hbm.at[0], src_v)
        pltpu.sync_copy(ei_hbm.at[1], dst_v)
        pltpu.sync_copy(ew_hbm, ew_v)
        lanes = lax.iota(jnp.int32, _LANES)
        zeros = jnp.zeros((_LANES,), jnp.float32)

        def zero_body(i, _):
            for j in range(8):
                acc_v[pl.ds(i * 8 * _LANES + j * _LANES, _LANES)] = zeros
            return 0

        lax.fori_loop(0, _LANES * _CELLS // (8 * _LANES), zero_body, 0)

        for c in range(_CHUNKS):
            if c * _LANES >= N_EDGES:
                break
            s = src_v[pl.ds(c * _LANES, _LANES)]
            d = dst_v[pl.ds(c * _LANES, _LANES)]
            w = ew_v[pl.ds(c * _LANES, _LANES)]
            flat = s * N_NODES + d + lanes * _CELLS
            if (c + 1) * _LANES <= N_EDGES:
                plsc.addupdate_scatter(acc_v, [flat], w)
            else:
                m = (c * _LANES + lanes) < N_EDGES
                plsc.addupdate_scatter(acc_v, [flat], w, mask=m)

        def red_body(cc, _):
            pos = cc * _LANES + lanes
            tot = jnp.where(pos % (N_NODES + 1) == 0, 1.0, 0.0)

            def lane_body(l, t):
                return t + acc_v[pl.ds(l * _CELLS + cc * _LANES, _LANES)]

            tot = lax.fori_loop(0, _LANES, lane_body, tot)
            fin_v[pl.ds(cc * _LANES, _LANES)] = tot
            return 0

        lax.fori_loop(0, _CELLS // _LANES, red_body, 0)
        pltpu.sync_copy(fin_v, out_hbm)


def _sc_build_adj(edge_index, edge_attr):
    return pl.kernel(
        _sc_adj_body,
        out_type=jax.ShapeDtypeStruct((_CELLS,), jnp.float32),
        mesh=plsc.VectorSubcoreMesh(core_axis_name="c", subcore_axis_name="s"),
        compiler_params=pltpu.CompilerParams(needs_layout_passes=False),
        scratch_types=[
            pltpu.VMEM((256,), jnp.int32),
            pltpu.VMEM((256,), jnp.int32),
            pltpu.VMEM((256,), jnp.float32),
            pltpu.VMEM((_LANES * _CELLS,), jnp.float32),
            pltpu.VMEM((_CELLS,), jnp.float32),
        ],
    )(edge_index, edge_attr)



def _fold_conv(W, kref, K):
    pad_l = (K - 1) // 2
    C, H = W.shape
    acc = W * kref[0, pad_l]
    for k in range(K):
        s = k - pad_l
        if s == 0:
            continue
        if s > 0:
            sh = jnp.concatenate([jnp.zeros((s, H), W.dtype), W[: C - s, :]],
                                 axis=0)
        else:
            sh = jnp.concatenate([W[-s:, :], jnp.zeros((-s, H), W.dtype)],
                                 axis=0)
        acc = acc + kref[0, k] * sh
    return acc


def _fold_conv_cols(WT, kref, K):
    pad_l = (K - 1) // 2
    H, C = WT.shape
    acc = WT * kref[0, pad_l]
    for k in range(K):
        s = k - pad_l
        if s == 0:
            continue
        if s > 0:
            sh = jnp.concatenate([jnp.zeros((H, s), WT.dtype), WT[:, : C - s]],
                                 axis=1)
        else:
            sh = jnp.concatenate([WT[:, -s:], jnp.zeros((H, -s), WT.dtype)],
                                 axis=1)
        acc = acc + kref[0, k] * sh
    return acc


def _blockdiag2(W):
    K, H = W.shape
    z = jnp.zeros((K, H), W.dtype)
    top = jnp.concatenate([W, z], axis=1)
    bot = jnp.concatenate([z, W], axis=1)
    return jnp.concatenate([top, bot], axis=0)


def _tc_body(x_ref, AT_ref, k1_ref, W1a_ref, b1a_ref, W2aT_ref, b2a_ref,
             k2_ref, W1bT_ref, b1b_ref, W2bT_ref, b2b_ref, cwT_ref, cb_ref,
             fcw_ref, fcb_ref, out_ref,
             W1s, W2Ts, W3Ts, W4Ts, A4Ts, b1s, b2s, b3s, b4s, Fs):
    f32 = jnp.float32

    @pl.when(pl.program_id(0) == 0)
    def _prep():
        W1s[...] = _blockdiag2(_fold_conv(W1a_ref[...], k1_ref, 15))
        W2Ts[...] = _blockdiag2(W2aT_ref[...])
        W3Ts[...] = _blockdiag2(_fold_conv_cols(W1bT_ref[...], k2_ref, 16))
        W4Ts[...] = _blockdiag2(W2bT_ref[...])
        b1s[...] = jnp.concatenate([b1a_ref[...], b1a_ref[...]], axis=0)
        b2s[...] = jnp.concatenate([b2a_ref[...], b2a_ref[...]], axis=0)
        b3s[...] = jnp.concatenate([b1b_ref[...], b1b_ref[...]], axis=0)
        b4s[...] = jnp.concatenate([b2b_ref[...], b2b_ref[...]], axis=0)
        AT = AT_ref[...]
        T = jnp.concatenate([AT, AT, AT, AT], axis=0)
        T = jnp.concatenate([T, T, T, T], axis=1)
        rb = lax.broadcasted_iota(jnp.int32, (128, 128), 0) // N_NODES
        cb = lax.broadcasted_iota(jnp.int32, (128, 128), 1) // N_NODES
        A4Ts[...] = jnp.where(rb == cb, T, 0.0)
        fcw_full = jnp.concatenate([fcw_ref[...]] * GRAPHS_PER_BLOCK, axis=0)
        rf = lax.broadcasted_iota(jnp.int32, (ROWS_PER_BLOCK,
                                              GRAPHS_PER_BLOCK), 0) // N_NODES
        cf = lax.broadcasted_iota(jnp.int32, (ROWS_PER_BLOCK,
                                              GRAPHS_PER_BLOCK), 1)
        Fs[...] = jnp.where(rf == cf, fcw_full, 0.0)

    A4T = A4Ts[...]

    def mixT(v):
        outs = []
        for c in range(ROWS_PER_BLOCK // 128):
            blk = v[:, c * 128:(c + 1) * 128]
            outs.append(jnp.dot(blk, A4T, preferred_element_type=f32))
        return jnp.concatenate(outs, axis=1)

    xb = x_ref[...]
    raw1 = lax.dot_general(W1s[...], xb, (((0,), (1,)), ((), ())),
                           preferred_element_type=f32)
    a1 = jax.nn.relu(raw1 + b1s[...])
    h1 = jax.nn.relu(jnp.dot(W2Ts[...], mixT(a1), preferred_element_type=f32)
                     + b2s[...])
    a2 = jax.nn.relu(jnp.dot(W3Ts[...], h1, preferred_element_type=f32)
                     + b3s[...])
    h2 = jax.nn.relu(jnp.dot(W4Ts[...], mixT(a2), preferred_element_type=f32)
                     + b4s[...])

    y = jnp.dot(cwT_ref[...], h2, preferred_element_type=f32)
    y = jax.nn.relu(y + cb_ref[0, 0])
    out = jax.nn.sigmoid(jnp.dot(y, Fs[...], preferred_element_type=f32)
                         + fcb_ref[0, 0])
    out_ref[...] = out.reshape(1, 1, GRAPHS_PER_BLOCK)


def kernel(x, edge_index, edge_attr, batch, kern1, W1a, b1a, W2a, b2a,
           kern2, W1b, b1b, W2b, b2b, conv_w, conv_b, fc_w, fc_b):
    del batch
    f32 = jnp.float32

    AhatT = _sc_build_adj(edge_index.astype(jnp.int32),
                          edge_attr.astype(f32)).reshape(N_NODES, N_NODES)

    vspec = lambda shape: pl.BlockSpec(shape, lambda i: (0, 0))
    sspec = lambda shape: pl.BlockSpec(shape, lambda i: (0, 0),
                                       memory_space=pltpu.SMEM)

    return pl.pallas_call(
        _tc_body,
        grid=(GRID,),
        in_specs=[
            pl.BlockSpec((ROWS_PER_BLOCK, 2 * WINDOW), lambda i: (i, 0)),
            vspec((N_NODES, N_NODES)),
            sspec((1, 15)),
            vspec((WINDOW, 16)),
            vspec((16, 1)),
            vspec((64, 16)),
            vspec((64, 1)),
            sspec((1, 16)),
            vspec((8, 64)),
            vspec((8, 1)),
            vspec((64, 8)),
            vspec((64, 1)),
            vspec((1, 128)),
            sspec((1, 1)),
            vspec((N_NODES, 1)),
            sspec((1, 1)),
        ],
        out_specs=pl.BlockSpec((1, 1, GRAPHS_PER_BLOCK), lambda i: (i, 0, 0)),
        out_shape=jax.ShapeDtypeStruct((GRID, 1, GRAPHS_PER_BLOCK), f32),
        scratch_shapes=[
            pltpu.VMEM((256, 32), f32),
            pltpu.VMEM((128, 32), f32),
            pltpu.VMEM((16, 128), f32),
            pltpu.VMEM((128, 16), f32),
            pltpu.VMEM((128, 128), f32),
            pltpu.VMEM((32, 1), f32),
            pltpu.VMEM((128, 1), f32),
            pltpu.VMEM((16, 1), f32),
            pltpu.VMEM((128, 1), f32),
            pltpu.VMEM((ROWS_PER_BLOCK, GRAPHS_PER_BLOCK), f32),
        ],
        compiler_params=pltpu.CompilerParams(
            dimension_semantics=("arbitrary",)),
    )(x, AhatT, kern1.reshape(1, 15), W1a, b1a.reshape(16, 1), W2a.T,
      b2a.reshape(64, 1), kern2.reshape(1, 16), W1b.T, b1b.reshape(8, 1),
      W2b.T, b2b.reshape(64, 1), conv_w[0].T.reshape(1, 128),
      conv_b.reshape(1, 1), fc_w, fc_b.reshape(1, 1)).reshape(N_GRAPHS, 1)

# --- scband reference (transcript-rebuilt; emitter-appended) ---
"""Pipeline reference for scband-stgcn-63668595196580 (READ-ONLY COPY).

The authoritative reference and input builder live on the scoring server;
editing this copy changes nothing except your own understanding.
"""

import jax, jax.numpy as jnp
import numpy as np

WINDOW = 128
N_GRAPHS = 4096
N_NODES = 32


def _stb(x, ei, ew, kern, W1, b1, W2, b2):
    # x: [N, M, n, c]  temporal depthwise conv (same pad) -> linear -> weighted graph scatter-add -> linear
    Nb, Mb, nb, cb = x.shape
    K = kern.shape[0]
    pl = (K - 1) // 2
    pr = K - 1 - pl
    x2 = x.reshape(-1, 1, cb)
    xt = jax.lax.conv_general_dilated(x2, kern.reshape(1, 1, K), (1,), [(pl, pr)],
                                      dimension_numbers=('NCH', 'OIH', 'NCH'))
    xt = xt.reshape(Nb, Mb, nb, cb)
    h = jax.nn.relu(jnp.einsum('nmac,ch->nmah', xt, W1) + b1)
    src = ei[0]
    dst = ei[1]
    msg = h[:, :, src, :] * ew[None, None, :, None]          # gather over node axis
    msg_t = jnp.moveaxis(msg, 2, 0)                          # [E, N, M, hid]
    agg = jax.ops.segment_sum(msg_t, dst, num_segments=nb)   # scatter-add over dst nodes
    agg = jnp.moveaxis(agg, 0, 2) + h                        # + self connection
    return jnp.einsum('nmah,ho->nmao', agg, W2) + b2


def setup_inputs(seed: int = 0):
    key = jax.random.key(seed)
    ks = jax.random.split(key, 12)
    x = jax.random.normal(ks[0], (N_GRAPHS * N_NODES, 2 * WINDOW), dtype=jnp.float32)
    edge_index = jax.random.randint(ks[1], (2, 256), 0, N_NODES)
    edge_attr = jax.random.uniform(ks[2], (256,), dtype=jnp.float32)
    batch = jnp.arange(N_GRAPHS * N_NODES, dtype=jnp.int32) // N_NODES
    kern1 = jax.random.normal(ks[3], (15,), dtype=jnp.float32) * 0.2
    W1a = jax.random.normal(ks[4], (WINDOW, 16), dtype=jnp.float32) / np.sqrt(WINDOW)
    b1a = jnp.zeros((16,), jnp.float32)
    W2a = jax.random.normal(ks[5], (16, 64), dtype=jnp.float32) / 4.0
    b2a = jnp.zeros((64,), jnp.float32)
    kern2 = jax.random.normal(ks[6], (16,), dtype=jnp.float32) * 0.2
    W1b = jax.random.normal(ks[7], (64, 8), dtype=jnp.float32) / 8.0
    b1b = jnp.zeros((8,), jnp.float32)
    W2b = jax.random.normal(ks[8], (8, 64), dtype=jnp.float32) / np.sqrt(8.0)
    b2b = jnp.zeros((64,), jnp.float32)
    conv_w = jax.random.normal(ks[9], (1, 64, 2), dtype=jnp.float32) / np.sqrt(128.0)
    conv_b = jnp.zeros((1,), jnp.float32)
    fc_w = jax.random.normal(ks[10], (32, 1), dtype=jnp.float32) / np.sqrt(32.0)
    fc_b = jnp.zeros((1,), jnp.float32)
    return {"x": x, "edge_index": edge_index, "edge_attr": edge_attr, "batch": batch,
            "kern1": kern1, "W1a": W1a, "b1a": b1a, "W2a": W2a, "b2a": b2a,
            "kern2": kern2, "W1b": W1b, "b1b": b1b, "W2b": W2b, "b2b": b2b,
            "conv_w": conv_w, "conv_b": conv_b, "fc_w": fc_w, "fc_b": fc_b}


def reference(x, edge_index, edge_attr, batch, kern1, W1a, b1a, W2a, b2a,
              kern2, W1b, b1b, W2b, b2b, conv_w, conv_b, fc_w, fc_b):
    ei = edge_index[:, :194]
    ew = edge_attr[:194]
    N = batch.shape[0] // N_NODES
    total, D = x.shape
    n = total // N
    M = D // WINDOW
    # '(N n) (M c) -> N M n c'
    h = x.reshape(N, n, M, WINDOW).transpose(0, 2, 1, 3)
    h = jax.nn.relu(_stb(h, ei, ew, kern1, W1a, b1a, W2a, b2a))
    h = jax.nn.relu(_stb(h, ei, ew, kern2, W1b, b1b, W2b, b2b))
    # 'N M n c -> (N n) c M'
    h = h.transpose(0, 2, 3, 1).reshape(N * n, 64, M)
    # Conv1d(64, 1, 2), valid -> length 1
    y = jnp.einsum('bck,ck->b', h, conv_w[0]) + conv_b[0]
    y = jax.nn.relu(y)
    # '(N n) c M -> N (n c M)' with c=1, M'=1
    y = y.reshape(N, n)
    out = jax.nn.sigmoid(y @ fc_w + fc_b)
    return out

if __name__ == "__main__":
    import jax
    _d = setup_inputs()
    print(jax.jit(kernel)(*tuple(_d.values())))

</pallas_src>

<mosaic_0001>
#map = affine_map<(d0, d1) -> (0, 0)>
#map1 = affine_map<(d0, d1) -> (0)>
module attributes {stable_mosaic.version = 14 : i64} {
  func.func @_sc_adj_body(%arg0: i32, %arg1: i32, %arg2: memref<2x256xi32, #tpu.memory_space<hbm>>, %arg3: memref<256xf32, #tpu.memory_space<hbm>>, %arg4: memref<1024xf32, #tpu.memory_space<hbm>>, %arg5: memref<256xi32, #tpu.memory_space<vmem>>, %arg6: memref<256xi32, #tpu.memory_space<vmem>>, %arg7: memref<256xf32, #tpu.memory_space<vmem>>, %arg8: memref<16384xf32, #tpu.memory_space<vmem>>, %arg9: memref<1024xf32, #tpu.memory_space<vmem>>) attributes {dimension_semantics = [#tpu.dimension_semantics<core_parallel>, #tpu.dimension_semantics<subcore_parallel>], iteration_bounds = array<i64: 2, 16>, scalar_prefetch = 0 : i64, scratch_operands = 5 : i64, tpu.core_type = #tpu.core_type<sc_vector_subcore>, window_params = [{transform_indices = #map}, {transform_indices = #map1}, {transform_indices = #map1}]} {
    %mul3A = arith.constant 2 : i32
    %mul3A_0 = arith.muli %arg1, %mul3A : i32
    %add3A = arith.addi %mul3A_0, %arg0 : i32
    %eq3A = arith.constant 0 : i32
    %eq3A_1 = arith.cmpi eq, %add3A, %eq3A : i32
    %convert_element_type3A = arith.extui %eq3A_1 : i1 to i32
    %cond3A = arith.constant 0 : i32
    %cond3A_2 = arith.cmpi ne, %convert_element_type3A, %cond3A : i32
    scf.if %cond3A_2 {
      %run_scoped3A = arith.constant 0 : i32
      "tpu.region"() ({
        %run_scoped3A_204 = tpu.sem_alloc : memref<!tpu.dma_semaphore, #tpu.memory_space<semaphore_mem>>
        %dma_start3A = arith.constant 0 : i32
        %dma_start3A_205 = tpu.memref_slice %arg2[%run_scoped3A, %dma_start3A] : memref<2x256xi32, #tpu.memory_space<hbm>> -> memref<1x256xi32, #tpu.memory_space<hbm>>
        %dma_start3A_206 = tpu.memref_squeeze %dma_start3A_205 : memref<1x256xi32, #tpu.memory_space<hbm>> -> memref<256xi32, #tpu.memory_space<hbm>>
        %dma_start3A_207 = arith.constant 0 : i32
        %dma_start3A_208 = tpu.memref_slice %arg2[%run_scoped3A, %dma_start3A_207] : memref<2x256xi32, #tpu.memory_space<hbm>> -> memref<1x256xi32, #tpu.memory_space<hbm>>
        %dma_start3A_209 = tpu.memref_squeeze %dma_start3A_208 : memref<1x256xi32, #tpu.memory_space<hbm>> -> memref<256xi32, #tpu.memory_space<hbm>>
        tpu.enqueue_dma source(%dma_start3A_209 : memref<256xi32, #tpu.memory_space<hbm>>) target(%arg5 : memref<256xi32, #tpu.memory_space<vmem>>) target_semaphore(%run_scoped3A_204 : memref<!tpu.dma_semaphore, #tpu.memory_space<semaphore_mem>>)
        %dma_wait3A = arith.constant 0 : i32
        %dma_wait3A_210 = tpu.memref_slice %arg2[%run_scoped3A, %dma_wait3A] : memref<2x256xi32, #tpu.memory_space<hbm>> -> memref<1x256xi32, #tpu.memory_space<hbm>>
        %dma_wait3A_211 = tpu.memref_squeeze %dma_wait3A_210 : memref<1x256xi32, #tpu.memory_space<hbm>> -> memref<256xi32, #tpu.memory_space<hbm>>
        %dma_wait3A_212 = arith.constant 0 : i32
        %dma_wait3A_213 = tpu.memref_slice %arg2[%run_scoped3A, %dma_wait3A_212] : memref<2x256xi32, #tpu.memory_space<hbm>> -> memref<1x256xi32, #tpu.memory_space<hbm>>
        %dma_wait3A_214 = tpu.memref_squeeze %dma_wait3A_213 : memref<1x256xi32, #tpu.memory_space<hbm>> -> memref<256xi32, #tpu.memory_space<hbm>>
        tpu.wait_dma2 semaphore(%run_scoped3A_204 : memref<!tpu.dma_semaphore, #tpu.memory_space<semaphore_mem>>) src(%dma_wait3A_214 : memref<256xi32, #tpu.memory_space<hbm>>) dst(%arg5 : memref<256xi32, #tpu.memory_space<vmem>>)
        tpu.yield
      }) : () -> ()
      %run_scoped3A_3 = arith.constant 1 : i32
      "tpu.region"() ({
        %run_scoped3A_204 = tpu.sem_alloc : memref<!tpu.dma_semaphore, #tpu.memory_space<semaphore_mem>>
        %dma_start3A = arith.constant 0 : i32
        %dma_start3A_205 = tpu.memref_slice %arg2[%run_scoped3A_3, %dma_start3A] : memref<2x256xi32, #tpu.memory_space<hbm>> -> memref<1x256xi32, #tpu.memory_space<hbm>>
        %dma_start3A_206 = tpu.memref_squeeze %dma_start3A_205 : memref<1x256xi32, #tpu.memory_space<hbm>> -> memref<256xi32, #tpu.memory_space<hbm>>
        %dma_start3A_207 = arith.constant 0 : i32
        %dma_start3A_208 = tpu.memref_slice %arg2[%run_scoped3A_3, %dma_start3A_207] : memref<2x256xi32, #tpu.memory_space<hbm>> -> memref<1x256xi32, #tpu.memory_space<hbm>>
        %dma_start3A_209 = tpu.memref_squeeze %dma_start3A_208 : memref<1x256xi32, #tpu.memory_space<hbm>> -> memref<256xi32, #tpu.memory_space<hbm>>
        tpu.enqueue_dma source(%dma_start3A_209 : memref<256xi32, #tpu.memory_space<hbm>>) target(%arg6 : memref<256xi32, #tpu.memory_space<vmem>>) target_semaphore(%run_scoped3A_204 : memref<!tpu.dma_semaphore, #tpu.memory_space<semaphore_mem>>)
        %dma_wait3A = arith.constant 0 : i32
        %dma_wait3A_210 = tpu.memref_slice %arg2[%run_scoped3A_3, %dma_wait3A] : memref<2x256xi32, #tpu.memory_space<hbm>> -> memref<1x256xi32, #tpu.memory_space<hbm>>
        %dma_wait3A_211 = tpu.memref_squeeze %dma_wait3A_210 : memref<1x256xi32, #tpu.memory_space<hbm>> -> memref<256xi32, #tpu.memory_space<hbm>>
        %dma_wait3A_212 = arith.constant 0 : i32
        %dma_wait3A_213 = tpu.memref_slice %arg2[%run_scoped3A_3, %dma_wait3A_212] : memref<2x256xi32, #tpu.memory_space<hbm>> -> memref<1x256xi32, #tpu.memory_space<hbm>>
        %dma_wait3A_214 = tpu.memref_squeeze %dma_wait3A_213 : memref<1x256xi32, #tpu.memory_space<hbm>> -> memref<256xi32, #tpu.memory_space<hbm>>
        tpu.wait_dma2 semaphore(%run_scoped3A_204 : memref<!tpu.dma_semaphore, #tpu.memory_space<semaphore_mem>>) src(%dma_wait3A_214 : memref<256xi32, #tpu.memory_space<hbm>>) dst(%arg6 : memref<256xi32, #tpu.memory_space<vmem>>)
        tpu.yield
      }) : () -> ()
      "tpu.region"() ({
        %run_scoped3A_204 = tpu.sem_alloc : memref<!tpu.dma_semaphore, #tpu.memory_space<semaphore_mem>>
        tpu.enqueue_dma source(%arg3 : memref<256xf32, #tpu.memory_space<hbm>>) target(%arg7 : memref<256xf32, #tpu.memory_space<vmem>>) target_semaphore(%run_scoped3A_204 : memref<!tpu.dma_semaphore, #tpu.memory_space<semaphore_mem>>)
        tpu.wait_dma2 semaphore(%run_scoped3A_204 : memref<!tpu.dma_semaphore, #tpu.memory_space<semaphore_mem>>) src(%arg3 : memref<256xf32, #tpu.memory_space<hbm>>) dst(%arg7 : memref<256xf32, #tpu.memory_space<vmem>>)
        tpu.yield
      }) : () -> ()
      %iota3A = tpu.iota {dimensions = array<i32: 0>} : vector<16xi32>
      %broadcast_in_dim3A = arith.constant 0.000000e+00 : f32
      %broadcast_in_dim3A_4 = vector.broadcast %broadcast_in_dim3A : f32 to vector<16xf32>
      %scan3A = arith.constant 0 : i32
      %scan3A_5 = arith.constant 0 : i32
      %scan3A_6 = arith.constant 128 : i32
      %scan3A_7 = arith.addi %scan3A_5, %scan3A_6 : i32
      %scan3A_8 = arith.constant 1 : i32
      %scan3A_9 = scf.for %scan3A_204 = %scan3A_5 to %scan3A_7 step %scan3A_8 iter_args(%scan3A_205 = %scan3A) -> (i32)  : i32 {
        %mul3A_206 = arith.constant 8 : i32
        %mul3A_207 = arith.muli %scan3A_204, %mul3A_206 : i32
        %mul3A_208 = arith.constant 16 : i32
        %mul3A_209 = arith.muli %mul3A_207, %mul3A_208 : i32
        %add3A_210 = arith.constant 0 : i32
        %add3A_211 = arith.addi %mul3A_209, %add3A_210 : i32
        %swap3A = arith.index_cast %add3A_211 : i32 to index
        %swap3A_212 = tpu.vector_load %arg8[%swap3A] {strides = array<i32>} : memref<16384xf32, #tpu.memory_space<vmem>>, vector<16xf32>,
        tpu.vector_store %arg8[%swap3A], %broadcast_in_dim3A_4 {strides = array<i32>} : memref<16384xf32, #tpu.memory_space<vmem>>, vector<16xf32>,
        %mul3A_213 = arith.constant 8 : i32
        %mul3A_214 = arith.muli %scan3A_204, %mul3A_213 : i32
        %mul3A_215 = arith.constant 16 : i32
        %mul3A_216 = arith.muli %mul3A_214, %mul3A_215 : i32
        %add3A_217 = arith.constant 16 : i32
        %add3A_218 = arith.addi %mul3A_216, %add3A_217 : i32
        %swap3A_219 = arith.index_cast %add3A_218 : i32 to index
        %swap3A_220 = tpu.vector_load %arg8[%swap3A_219] {strides = array<i32>} : memref<16384xf32, #tpu.memory_space<vmem>>, vector<16xf32>,
        tpu.vector_store %arg8[%swap3A_219], %broadcast_in_dim3A_4 {strides = array<i32>} : memref<16384xf32, #tpu.memory_space<vmem>>, vector<16xf32>,
        %mul3A_221 = arith.constant 8 : i32
        %mul3A_222 = arith.muli %scan3A_204, %mul3A_221 : i32
        %mul3A_223 = arith.constant 16 : i32
        %mul3A_224 = arith.muli %mul3A_222, %mul3A_223 : i32
        %add3A_225 = arith.constant 32 : i32
        %add3A_226 = arith.addi %mul3A_224, %add3A_225 : i32
        %swap3A_227 = arith.index_cast %add3A_226 : i32 to index
        %swap3A_228 = tpu.vector_load %arg8[%swap3A_227] {strides = array<i32>} : memref<16384xf32, #tpu.memory_space<vmem>>, vector<16xf32>,
        tpu.vector_store %arg8[%swap3A_227], %broadcast_in_dim3A_4 {strides = array<i32>} : memref<16384xf32, #tpu.memory_space<vmem>>, vector<16xf32>,
        %mul3A_229 = arith.constant 8 : i32
        %mul3A_230 = arith.muli %scan3A_204, %mul3A_229 : i32
        %mul3A_231 = arith.constant 16 : i32
        %mul3A_232 = arith.muli %mul3A_230, %mul3A_231 : i32
        %add3A_233 = arith.constant 48 : i32
        %add3A_234 = arith.addi %mul3A_232, %add3A_233 : i32
        %swap3A_235 = arith.index_cast %add3A_234 : i32 to index
        %swap3A_236 = tpu.vector_load %arg8[%swap3A_235] {strides = array<i32>} : memref<16384xf32, #tpu.memory_space<vmem>>, vector<16xf32>,
        tpu.vector_store %arg8[%swap3A_235], %broadcast_in_dim3A_4 {strides = array<i32>} : memref<16384xf32, #tpu.memory_space<vmem>>, vector<16xf32>,
        %mul3A_237 = arith.constant 8 : i32
        %mul3A_238 = arith.muli %scan3A_204, %mul3A_237 : i32
        %mul3A_239 = arith.constant 16 : i32
        %mul3A_240 = arith.muli %mul3A_238, %mul3A_239 : i32
        %add3A_241 = arith.constant 64 : i32
        %add3A_242 = arith.addi %mul3A_240, %add3A_241 : i32
        %swap3A_243 = arith.index_cast %add3A_242 : i32 to index
        %swap3A_244 = tpu.vector_load %arg8[%swap3A_243] {strides = array<i32>} : memref<16384xf32, #tpu.memory_space<vmem>>, vector<16xf32>,
        tpu.vector_store %arg8[%swap3A_243], %broadcast_in_dim3A_4 {strides = array<i32>} : memref<16384xf32, #tpu.memory_space<vmem>>, vector<16xf32>,
        %mul3A_245 = arith.constant 8 : i32
        %mul3A_246 = arith.muli %scan3A_204, %mul3A_245 : i32
        %mul3A_247 = arith.constant 16 : i32
        %mul3A_248 = arith.muli %mul3A_246, %mul3A_247 : i32
        %add3A_249 = arith.constant 80 : i32
        %add3A_250 = arith.addi %mul3A_248, %add3A_249 : i32
        %swap3A_251 = arith.index_cast %add3A_250 : i32 to index
        %swap3A_252 = tpu.vector_load %arg8[%swap3A_251] {strides = array<i32>} : memref<16384xf32, #tpu.memory_space<vmem>>, vector<16xf32>,
        tpu.vector_store %arg8[%swap3A_251], %broadcast_in_dim3A_4 {strides = array<i32>} : memref<16384xf32, #tpu.memory_space<vmem>>, vector<16xf32>,
        %mul3A_253 = arith.constant 8 : i32
        %mul3A_254 = arith.muli %scan3A_204, %mul3A_253 : i32
        %mul3A_255 = arith.constant 16 : i32
        %mul3A_256 = arith.muli %mul3A_254, %mul3A_255 : i32
        %add3A_257 = arith.constant 96 : i32
        %add3A_258 = arith.addi %mul3A_256, %add3A_257 : i32
        %swap3A_259 = arith.index_cast %add3A_258 : i32 to index
        %swap3A_260 = tpu.vector_load %arg8[%swap3A_259] {strides = array<i32>} : memref<16384xf32, #tpu.memory_space<vmem>>, vector<16xf32>,
        tpu.vector_store %arg8[%swap3A_259], %broadcast_in_dim3A_4 {strides = array<i32>} : memref<16384xf32, #tpu.memory_space<vmem>>, vector<16xf32>,
        %mul3A_261 = arith.constant 8 : i32
        %mul3A_262 = arith.muli %scan3A_204, %mul3A_261 : i32
        %mul3A_263 = arith.constant 16 : i32
        %mul3A_264 = arith.muli %mul3A_262, %mul3A_263 : i32
        %add3A_265 = arith.constant 112 : i32
        %add3A_266 = arith.addi %mul3A_264, %add3A_265 : i32
        %swap3A_267 = arith.index_cast %add3A_266 : i32 to index
        %swap3A_268 = tpu.vector_load %arg8[%swap3A_267] {strides = array<i32>} : memref<16384xf32, #tpu.memory_space<vmem>>, vector<16xf32>,
        tpu.vector_store %arg8[%swap3A_267], %broadcast_in_dim3A_4 {strides = array<i32>} : memref<16384xf32, #tpu.memory_space<vmem>>, vector<16xf32>,
        %scan3A_269 = arith.constant 0 : i32
        scf.yield %scan3A_269 : i32
      }
      %scan3A_10 = arith.constant 128 : i32
      %get3A = arith.constant 0 : index
      %get3A_11 = tpu.vector_load %arg5[%get3A] {strides = array<i32>} : memref<256xi32, #tpu.memory_space<vmem>>, vector<16xi32>,
      %get3A_12 = arith.constant 0 : index
      %get3A_13 = tpu.vector_load %arg6[%get3A_12] {strides = array<i32>} : memref<256xi32, #tpu.memory_space<vmem>>, vector<16xi32>,
      %get3A_14 = arith.constant 0 : index
      %get3A_15 = tpu.vector_load %arg7[%get3A_14] {strides = array<i32>} : memref<256xf32, #tpu.memory_space<vmem>>, vector<16xf32>,
      %mul3A_16 = arith.constant 32 : i32
      %mul3A_17 = vector.broadcast %mul3A_16 : i32 to vector<16xi32>
      %mul3A_18 = arith.muli %get3A_11, %mul3A_17 : vector<16xi32>
      %add3A_19 = arith.addi %mul3A_18, %get3A_13 : vector<16xi32>
      %mul3A_20 = arith.constant 1024 : i32
      %mul3A_21 = vector.broadcast %mul3A_20 : i32 to vector<16xi32>
      %mul3A_22 = arith.muli %iota3A, %mul3A_21 : vector<16xi32>
      %add3A_23 = arith.addi %add3A_19, %mul3A_22 : vector<16xi32>
      tpu.vector_store_idx %arg8[%add3A_23], %get3A_15 {add = true} : memref<16384xf32, #tpu.memory_space<vmem>>[vector<16xi32>], vector<16xf32>,
      %get3A_24 = arith.constant 16 : index
      %get3A_25 = tpu.vector_load %arg5[%get3A_24] {strides = array<i32>} : memref<256xi32, #tpu.memory_space<vmem>>, vector<16xi32>,
      %get3A_26 = arith.constant 16 : index
      %get3A_27 = tpu.vector_load %arg6[%get3A_26] {strides = array<i32>} : memref<256xi32, #tpu.memory_space<vmem>>, vector<16xi32>,
      %get3A_28 = arith.constant 16 : index
      %get3A_29 = tpu.vector_load %arg7[%get3A_28] {strides = array<i32>} : memref<256xf32, #tpu.memory_space<vmem>>, vector<16xf32>,
      %mul3A_30 = arith.constant 32 : i32
      %mul3A_31 = vector.broadcast %mul3A_30 : i32 to vector<16xi32>
      %mul3A_32 = arith.muli %get3A_25, %mul3A_31 : vector<16xi32>
      %add3A_33 = arith.addi %mul3A_32, %get3A_27 : vector<16xi32>
      %mul3A_34 = arith.constant 1024 : i32
      %mul3A_35 = vector.broadcast %mul3A_34 : i32 to vector<16xi32>
      %mul3A_36 = arith.muli %iota3A, %mul3A_35 : vector<16xi32>
      %add3A_37 = arith.addi %add3A_33, %mul3A_36 : vector<16xi32>
      tpu.vector_store_idx %arg8[%add3A_37], %get3A_29 {add = true} : memref<16384xf32, #tpu.memory_space<vmem>>[vector<16xi32>], vector<16xf32>,
      %get3A_38 = arith.constant 32 : index
      %get3A_39 = tpu.vector_load %arg5[%get3A_38] {strides = array<i32>} : memref<256xi32, #tpu.memory_space<vmem>>, vector<16xi32>,
      %get3A_40 = arith.constant 32 : index
      %get3A_41 = tpu.vector_load %arg6[%get3A_40] {strides = array<i32>} : memref<256xi32, #tpu.memory_space<vmem>>, vector<16xi32>,
      %get3A_42 = arith.constant 32 : index
      %get3A_43 = tpu.vector_load %arg7[%get3A_42] {strides = array<i32>} : memref<256xf32, #tpu.memory_space<vmem>>, vector<16xf32>,
      %mul3A_44 = arith.constant 32 : i32
      %mul3A_45 = vector.broadcast %mul3A_44 : i32 to vector<16xi32>
      %mul3A_46 = arith.muli %get3A_39, %mul3A_45 : vector<16xi32>
      %add3A_47 = arith.addi %mul3A_46, %get3A_41 : vector<16xi32>
      %mul3A_48 = arith.constant 1024 : i32
      %mul3A_49 = vector.broadcast %mul3A_48 : i32 to vector<16xi32>
      %mul3A_50 = arith.muli %iota3A, %mul3A_49 : vector<16xi32>
      %add3A_51 = arith.addi %add3A_47, %mul3A_50 : vector<16xi32>
      tpu.vector_store_idx %arg8[%add3A_51], %get3A_43 {add = true} : memref<16384xf32, #tpu.memory_space<vmem>>[vector<16xi32>], vector<16xf32>,
      %get3A_52 = arith.constant 48 : index
      %get3A_53 = tpu.vector_load %arg5[%get3A_52] {strides = array<i32>} : memref<256xi32, #tpu.memory_space<vmem>>, vector<16xi32>,
      %get3A_54 = arith.constant 48 : index
      %get3A_55 = tpu.vector_load %arg6[%get3A_54] {strides = array<i32>} : memref<256xi32, #tpu.memory_space<vmem>>, vector<16xi32>,
      %get3A_56 = arith.constant 48 : index
      %get3A_57 = tpu.vector_load %arg7[%get3A_56] {strides = array<i32>} : memref<256xf32, #tpu.memory_space<vmem>>, vector<16xf32>,
      %mul3A_58 = arith.constant 32 : i32
      %mul3A_59 = vector.broadcast %mul3A_58 : i32 to vector<16xi32>
      %mul3A_60 = arith.muli %get3A_53, %mul3A_59 : vector<16xi32>
      %add3A_61 = arith.addi %mul3A_60, %get3A_55 : vector<16xi32>
      %mul3A_62 = arith.constant 1024 : i32
      %mul3A_63 = vector.broadcast %mul3A_62 : i32 to vector<16xi32>
      %mul3A_64 = arith.muli %iota3A, %mul3A_63 : vector<16xi32>
      %add3A_65 = arith.addi %add3A_61, %mul3A_64 : vector<16xi32>
      tpu.vector_store_idx %arg8[%add3A_65], %get3A_57 {add = true} : memref<16384xf32, #tpu.memory_space<vmem>>[vector<16xi32>], vector<16xf32>,
      %get3A_66 = arith.constant 64 : index
      %get3A_67 = tpu.vector_load %arg5[%get3A_66] {strides = array<i32>} : memref<256xi32, #tpu.memory_space<vmem>>, vector<16xi32>,
      %get3A_68 = arith.constant 64 : index
      %get3A_69 = tpu.vector_load %arg6[%get3A_68] {strides = array<i32>} : memref<256xi32, #tpu.memory_space<vmem>>, vector<16xi32>,
      %get3A_70 = arith.constant 64 : index
      %get3A_71 = tpu.vector_load %arg7[%get3A_70] {strides = array<i32>} : memref<256xf32, #tpu.memory_space<vmem>>, vector<16xf32>,
      %mul3A_72 = arith.constant 32 : i32
      %mul3A_73 = vector.broadcast %mul3A_72 : i32 to vector<16xi32>
      %mul3A_74 = arith.muli %get3A_67, %mul3A_73 : vector<16xi32>
      %add3A_75 = arith.addi %mul3A_74, %get3A_69 : vector<16xi32>
      %mul3A_76 = arith.constant 1024 : i32
      %mul3A_77 = vector.broadcast %mul3A_76 : i32 to vector<16xi32>
      %mul3A_78 = arith.muli %iota3A, %mul3A_77 : vector<16xi32>
      %add3A_79 = arith.addi %add3A_75, %mul3A_78 : vector<16xi32>
      tpu.vector_store_idx %arg8[%add3A_79], %get3A_71 {add = true} : memref<16384xf32, #tpu.memory_space<vmem>>[vector<16xi32>], vector<16xf32>,
      %get3A_80 = arith.constant 80 : index
      %get3A_81 = tpu.vector_load %arg5[%get3A_80] {strides = array<i32>} : memref<256xi32, #tpu.memory_space<vmem>>, vector<16xi32>,
      %get3A_82 = arith.constant 80 : index
      %get3A_83 = tpu.vector_load %arg6[%get3A_82] {strides = array<i32>} : memref<256xi32, #tpu.memory_space<vmem>>, vector<16xi32>,
      %get3A_84 = arith.constant 80 : index
      %get3A_85 = tpu.vector_load %arg7[%get3A_84] {strides = array<i32>} : memref<256xf32, #tpu.memory_space<vmem>>, vector<16xf32>,
      %mul3A_86 = arith.constant 32 : i32
      %mul3A_87 = vector.broadcast %mul3A_86 : i32 to vector<16xi32>
      %mul3A_88 = arith.muli %get3A_81, %mul3A_87 : vector<16xi32>
      %add3A_89 = arith.addi %mul3A_88, %get3A_83 : vector<16xi32>
      %mul3A_90 = arith.constant 1024 : i32
      %mul3A_91 = vector.broadcast %mul3A_90 : i32 to vector<16xi32>
      %mul3A_92 = arith.muli %iota3A, %mul3A_91 : vector<16xi32>
      %add3A_93 = arith.addi %add3A_89, %mul3A_92 : vector<16xi32>
      tpu.vector_store_idx %arg8[%add3A_93], %get3A_85 {add = true} : memref<16384xf32, #tpu.memory_space<vmem>>[vector<16xi32>], vector<16xf32>,
      %get3A_94 = arith.constant 96 : index
      %get3A_95 = tpu.vector_load %arg5[%get3A_94] {strides = array<i32>} : memref<256xi32, #tpu.memory_space<vmem>>, vector<16xi32>,
      %get3A_96 = arith.constant 96 : index
      %get3A_97 = tpu.vector_load %arg6[%get3A_96] {strides = array<i32>} : memref<256xi32, #tpu.memory_space<vmem>>, vector<16xi32>,
      %get3A_98 = arith.constant 96 : index
      %get3A_99 = tpu.vector_load %arg7[%get3A_98] {strides = array<i32>} : memref<256xf32, #tpu.memory_space<vmem>>, vector<16xf32>,
      %mul3A_100 = arith.constant 32 : i32
      %mul3A_101 = vector.broadcast %mul3A_100 : i32 to vector<16xi32>
      %mul3A_102 = arith.muli %get3A_95, %mul3A_101 : vector<16xi32>
      %add3A_103 = arith.addi %mul3A_102, %get3A_97 : vector<16xi32>
      %mul3A_104 = arith.constant 1024 : i32
      %mul3A_105 = vector.broadcast %mul3A_104 : i32 to vector<16xi32>
      %mul3A_106 = arith.muli %iota3A, %mul3A_105 : vector<16xi32>
      %add3A_107 = arith.addi %add3A_103, %mul3A_106 : vector<16xi32>
      tpu.vector_store_idx %arg8[%add3A_107], %get3A_99 {add = true} : memref<16384xf32, #tpu.memory_space<vmem>>[vector<16xi32>], vector<16xf32>,
      %get3A_108 = arith.constant 112 : index
      %get3A_109 = tpu.vector_load %arg5[%get3A_108] {strides = array<i32>} : memref<256xi32, #tpu.memory_space<vmem>>, vector<16xi32>,
      %get3A_110 = arith.constant 112 : index
      %get3A_111 = tpu.vector_load %arg6[%get3A_110] {strides = array<i32>} : memref<256xi32, #tpu.memory_space<vmem>>, vector<16xi32>,
      %get3A_112 = arith.constant 112 : index
      %get3A_113 = tpu.vector_load %arg7[%get3A_112] {strides = array<i32>} : memref<256xf32, #tpu.memory_space<vmem>>, vector<16xf32>,
      %mul3A_114 = arith.constant 32 : i32
      %mul3A_115 = vector.broadcast %mul3A_114 : i32 to vector<16xi32>
      %mul3A_116 = arith.muli %get3A_109, %mul3A_115 : vector<16xi32>
      %add3A_117 = arith.addi %mul3A_116, %get3A_111 : vector<16xi32>
      %mul3A_118 = arith.constant 1024 : i32
      %mul3A_119 = vector.broadcast %mul3A_118 : i32 to vector<16xi32>
      %mul3A_120 = arith.muli %iota3A, %mul3A_119 : vector<16xi32>
      %add3A_121 = arith.addi %add3A_117, %mul3A_120 : vector<16xi32>
      tpu.vector_store_idx %arg8[%add3A_121], %get3A_113 {add = true} : memref<16384xf32, #tpu.memory_space<vmem>>[vector<16xi32>], vector<16xf32>,
      %get3A_122 = arith.constant 128 : index
      %get3A_123 = tpu.vector_load %arg5[%get3A_122] {strides = array<i32>} : memref<256xi32, #tpu.memory_space<vmem>>, vector<16xi32>,
      %get3A_124 = arith.constant 128 : index
      %get3A_125 = tpu.vector_load %arg6[%get3A_124] {strides = array<i32>} : memref<256xi32, #tpu.memory_space<vmem>>, vector<16xi32>,
      %get3A_126 = arith.constant 128 : index
      %get3A_127 = tpu.vector_load %arg7[%get3A_126] {strides = array<i32>} : memref<256xf32, #tpu.memory_space<vmem>>, vector<16xf32>,
      %mul3A_128 = arith.constant 32 : i32
      %mul3A_129 = vector.broadcast %mul3A_128 : i32 to vector<16xi32>
      %mul3A_130 = arith.muli %get3A_123, %mul3A_129 : vector<16xi32>
      %add3A_131 = arith.addi %mul3A_130, %get3A_125 : vector<16xi32>
      %mul3A_132 = arith.constant 1024 : i32
      %mul3A_133 = vector.broadcast %mul3A_132 : i32 to vector<16xi32>
      %mul3A_134 = arith.muli %iota3A, %mul3A_133 : vector<16xi32>
      %add3A_135 = arith.addi %add3A_131, %mul3A_134 : vector<16xi32>
      tpu.vector_store_idx %arg8[%add3A_135], %get3A_127 {add = true} : memref<16384xf32, #tpu.memory_space<vmem>>[vector<16xi32>], vector<16xf32>,
      %get3A_136 = arith.constant 144 : index
      %get3A_137 = tpu.vector_load %arg5[%get3A_136] {strides = array<i32>} : memref<256xi32, #tpu.memory_space<vmem>>, vector<16xi32>,
      %get3A_138 = arith.constant 144 : index
      %get3A_139 = tpu.vector_load %arg6[%get3A_138] {strides = array<i32>} : memref<256xi32, #tpu.memory_space<vmem>>, vector<16xi32>,
      %get3A_140 = arith.constant 144 : index
      %get3A_141 = tpu.vector_load %arg7[%get3A_140] {strides = array<i32>} : memref<256xf32, #tpu.memory_space<vmem>>, vector<16xf32>,
      %mul3A_142 = arith.constant 32 : i32
      %mul3A_143 = vector.broadcast %mul3A_142 : i32 to vector<16xi32>
      %mul3A_144 = arith.muli %get3A_137, %mul3A_143 : vector<16xi32>
      %add3A_145 = arith.addi %mul3A_144, %get3A_139 : vector<16xi32>
      %mul3A_146 = arith.constant 1024 : i32
      %mul3A_147 = vector.broadcast %mul3A_146 : i32 to vector<16xi32>
      %mul3A_148 = arith.muli %iota3A, %mul3A_147 : vector<16xi32>
      %add3A_149 = arith.addi %add3A_145, %mul3A_148 : vector<16xi32>
      tpu.vector_store_idx %arg8[%add3A_149], %get3A_141 {add = true} : memref<16384xf32, #tpu.memory_space<vmem>>[vector<16xi32>], vector<16xf32>,
      %get3A_150 = arith.constant 160 : index
      %get3A_151 = tpu.vector_load %arg5[%get3A_150] {strides = array<i32>} : memref<256xi32, #tpu.memory_space<vmem>>, vector<16xi32>,
      %get3A_152 = arith.constant 160 : index
      %get3A_153 = tpu.vector_load %arg6[%get3A_152] {strides = array<i32>} : memref<256xi32, #tpu.memory_space<vmem>>, vector<16xi32>,
      %get3A_154 = arith.constant 160 : index
      %get3A_155 = tpu.vector_load %arg7[%get3A_154] {strides = array<i32>} : memref<256xf32, #tpu.memory_space<vmem>>, vector<16xf32>,
      %mul3A_156 = arith.constant 32 : i32
      %mul3A_157 = vector.broadcast %mul3A_156 : i32 to vector<16xi32>
      %mul3A_158 = arith.muli %get3A_151, %mul3A_157 : vector<16xi32>
      %add3A_159 = arith.addi %mul3A_158, %get3A_153 : vector<16xi32>
      %mul3A_160 = arith.constant 1024 : i32
      %mul3A_161 = vector.broadcast %mul3A_160 : i32 to vector<16xi32>
      %mul3A_162 = arith.muli %iota3A, %mul3A_161 : vector<16xi32>
      %add3A_163 = arith.addi %add3A_159, %mul3A_162 : vector<16xi32>
      tpu.vector_store_idx %arg8[%add3A_163], %get3A_155 {add = true} : memref<16384xf32, #tpu.memory_space<vmem>>[vector<16xi32>], vector<16xf32>,
      %get3A_164 = arith.constant 176 : index
      %get3A_165 = tpu.vector_load %arg5[%get3A_164] {strides = array<i32>} : memref<256xi32, #tpu.memory_space<vmem>>, vector<16xi32>,
      %get3A_166 = arith.constant 176 : index
      %get3A_167 = tpu.vector_load %arg6[%get3A_166] {strides = array<i32>} : memref<256xi32, #tpu.memory_space<vmem>>, vector<16xi32>,
      %get3A_168 = arith.constant 176 : index
      %get3A_169 = tpu.vector_load %arg7[%get3A_168] {strides = array<i32>} : memref<256xf32, #tpu.memory_space<vmem>>, vector<16xf32>,
      %mul3A_170 = arith.constant 32 : i32
      %mul3A_171 = vector.broadcast %mul3A_170 : i32 to vector<16xi32>
      %mul3A_172 = arith.muli %get3A_165, %mul3A_171 : vector<16xi32>
      %add3A_173 = arith.addi %mul3A_172, %get3A_167 : vector<16xi32>
      %mul3A_174 = arith.constant 1024 : i32
      %mul3A_175 = vector.broadcast %mul3A_174 : i32 to vector<16xi32>
      %mul3A_176 = arith.muli %iota3A, %mul3A_175 : vector<16xi32>
      %add3A_177 = arith.addi %add3A_173, %mul3A_176 : vector<16xi32>
      tpu.vector_store_idx %arg8[%add3A_177], %get3A_169 {add = true} : memref<16384xf32, #tpu.memory_space<vmem>>[vector<16xi32>], vector<16xf32>,
      %get3A_178 = arith.constant 192 : index
      %get3A_179 = tpu.vector_load %arg5[%get3A_178] {strides = array<i32>} : memref<256xi32, #tpu.memory_space<vmem>>, vector<16xi32>,
      %get3A_180 = arith.constant 192 : index
      %get3A_181 = tpu.vector_load %arg6[%get3A_180] {strides = array<i32>} : memref<256xi32, #tpu.memory_space<vmem>>, vector<16xi32>,
      %get3A_182 = arith.constant 192 : index
      %get3A_183 = tpu.vector_load %arg7[%get3A_182] {strides = array<i32>} : memref<256xf32, #tpu.memory_space<vmem>>, vector<16xf32>,
      %mul3A_184 = arith.constant 32 : i32
      %mul3A_185 = vector.broadcast %mul3A_184 : i32 to vector<16xi32>
      %mul3A_186 = arith.muli %get3A_179, %mul3A_185 : vector<16xi32>
      %add3A_187 = arith.addi %mul3A_186, %get3A_181 : vector<16xi32>
      %mul3A_188 = arith.constant 1024 : i32
      %mul3A_189 = vector.broadcast %mul3A_188 : i32 to vector<16xi32>
      %mul3A_190 = arith.muli %iota3A, %mul3A_189 : vector<16xi32>
      %add3A_191 = arith.addi %add3A_187, %mul3A_190 : vector<16xi32>
      %add3A_192 = arith.constant 192 : i32
      %add3A_193 = vector.broadcast %add3A_192 : i32 to vector<16xi32>
      %add3A_194 = arith.addi %add3A_193, %iota3A : vector<16xi32>
      %lt3A = arith.constant 194 : i32
      %lt3A_195 = vector.broadcast %lt3A : i32 to vector<16xi32>
      %lt3A_196 = arith.cmpi slt, %add3A_194, %lt3A_195 : vector<16xi32>
      tpu.vector_store_idx %arg8[%add3A_191], %get3A_183 masked %lt3A_196 {add = true} : memref<16384xf32, #tpu.memory_space<vmem>>[vector<16xi32>], vector<16xf32>, vector<16xi1>
      %scan3A_197 = arith.constant 0 : i32
      %scan3A_198 = arith.constant 0 : i32
      %scan3A_199 = arith.constant 64 : i32
      %scan3A_200 = arith.addi %scan3A_198, %scan3A_199 : i32
      %scan3A_201 = arith.constant 1 : i32
      %scan3A_202 = scf.for %scan3A_204 = %scan3A_198 to %scan3A_200 step %scan3A_201 iter_args(%scan3A_205 = %scan3A_197) -> (i32)  : i32 {
        %mul3A_206 = arith.constant 16 : i32
        %mul3A_207 = arith.muli %scan3A_204, %mul3A_206 : i32
        %add3A_208 = vector.broadcast %mul3A_207 : i32 to vector<16xi32>
        %add3A_209 = arith.addi %add3A_208, %iota3A : vector<16xi32>
        %jit3A = arith.constant 33 : i32
        %eq3A_210 = arith.constant 0 : i32
        %eq3A_211 = arith.cmpi eq, %jit3A, %eq3A_210 : i32
        %jit3A_212 = arith.constant 1 : i32
        %select_n3A = arith.select %eq3A_211, %jit3A_212, %jit3A : i32
        %rem3A = vector.broadcast %select_n3A : i32 to vector<16xi32>
        %rem3A_213 = arith.remsi %add3A_209, %rem3A : vector<16xi32>
        %ne3A = arith.constant 0 : i32
        %ne3A_214 = vector.broadcast %ne3A : i32 to vector<16xi32>
        %ne3A_215 = arith.cmpi ne, %rem3A_213, %ne3A_214 : vector<16xi32>
        %lt3A_216 = arith.constant 0 : i32
        %lt3A_217 = vector.broadcast %lt3A_216 : i32 to vector<16xi32>
        %lt3A_218 = arith.cmpi slt, %rem3A_213, %lt3A_217 : vector<16xi32>
        %lt3A_219 = arith.constant 0 : i32
        %lt3A_220 = arith.cmpi slt, %select_n3A, %lt3A_219 : i32
        %ne3A_221 = vector.broadcast %lt3A_220 : i1 to vector<16xi1>
        %ne3A_222 = vector.broadcast %ne3A_221 : vector<16xi1> to vector<16xi1>
        %ne3A_223 = arith.xori %lt3A_218, %ne3A_222 : vector<16xi1>
        %and3A = arith.andi %ne3A_223, %ne3A_215 : vector<16xi1>
        %add3A_224 = vector.broadcast %select_n3A : i32 to vector<16xi32>
        %add3A_225 = arith.addi %rem3A_213, %add3A_224 : vector<16xi32>
        %select_n3A_226 = arith.select %and3A, %add3A_225, %rem3A_213 : vector<16xi1>, vector<16xi32>
        %eq3A_227 = arith.constant 0 : i32
        %eq3A_228 = vector.broadcast %eq3A_227 : i32 to vector<16xi32>
        %eq3A_229 = arith.cmpi eq, %select_n3A_226, %eq3A_228 : vector<16xi32>
        %jit3A_230 = arith.constant 1.000000e+00 : f32
        %jit3A_231 = arith.constant 0.000000e+00 : f32
        %broadcast_in_dim3A_232 = vector.broadcast %jit3A_230 : f32 to vector<16xf32>
        %broadcast_in_dim3A_233 = vector.broadcast %jit3A_231 : f32 to vector<16xf32>
        %select_n3A_234 = arith.select %eq3A_229, %broadcast_in_dim3A_232, %broadcast_in_dim3A_233 : vector<16xi1>, vector<16xf32>
        %scan3A_235 = arith.constant 0 : i32
        %scan3A_236 = arith.constant 16 : i32
        %scan3A_237 = arith.addi %scan3A_235, %scan3A_236 : i32
        %scan3A_238 = arith.constant 1 : i32
        %scan3A_239 = scf.for %scan3A_245 = %scan3A_235 to %scan3A_237 step %scan3A_238 iter_args(%scan3A_246 = %select_n3A_234) -> (vector<16xf32>)  : i32 {
          %mul3A_247 = arith.constant 1024 : i32
          %mul3A_248 = arith.muli %scan3A_245, %mul3A_247 : i32
          %mul3A_249 = arith.constant 16 : i32
          %mul3A_250 = arith.muli %scan3A_204, %mul3A_249 : i32
          %add3A_251 = arith.addi %mul3A_248, %mul3A_250 : i32
          %get3A_252 = arith.index_cast %add3A_251 : i32 to index
          %get3A_253 = tpu.vector_load %arg8[%get3A_252] {strides = array<i32>} : memref<16384xf32, #tpu.memory_space<vmem>>, vector<16xf32>,
          %add3A_254 = arith.addf %scan3A_246, %get3A_253 : vector<16xf32>
          scf.yield %add3A_254 : vector<16xf32>
        }
        %scan3A_240 = arith.constant 16 : i32
        %mul3A_241 = arith.constant 16 : i32
        %mul3A_242 = arith.muli %scan3A_204, %mul3A_241 : i32
        %swap3A = arith.index_cast %mul3A_242 : i32 to index
        %swap3A_243 = tpu.vector_load %arg9[%swap3A] {strides = array<i32>} : memref<1024xf32, #tpu.memory_space<vmem>>, vector<16xf32>,
        tpu.vector_store %arg9[%swap3A], %scan3A_239 {strides = array<i32>} : memref<1024xf32, #tpu.memory_space<vmem>>, vector<16xf32>,
        %scan3A_244 = arith.constant 0 : i32
        scf.yield %scan3A_244 : i32
      }
      %scan3A_203 = arith.constant 64 : i32
      "tpu.region"() ({
        %run_scoped3A_204 = tpu.sem_alloc : memref<!tpu.dma_semaphore, #tpu.memory_space<semaphore_mem>>
        tpu.enqueue_dma source(%arg9 : memref<1024xf32, #tpu.memory_space<vmem>>) target(%arg4 : memref<1024xf32, #tpu.memory_space<hbm>>) target_semaphore(%run_scoped3A_204 : memref<!tpu.dma_semaphore, #tpu.memory_space<semaphore_mem>>)
        tpu.wait_dma2 semaphore(%run_scoped3A_204 : memref<!tpu.dma_semaphore, #tpu.memory_space<semaphore_mem>>) src(%arg9 : memref<1024xf32, #tpu.memory_space<vmem>>) dst(%arg4 : memref<1024xf32, #tpu.memory_space<hbm>>)
        tpu.yield
      }) : () -> ()
    } else {
    }
    return
  }
}

module attributes {stable_mosaic.version = 14 : i64} {
  func.func @_tc_body(%arg0: i32, %arg1: memref<4096x256xf32, #tpu.memory_space<vmem>>, %arg2: memref<32x32xf32, #tpu.memory_space<vmem>>, %arg3: memref<1x15xf32, #tpu.memory_space<smem>>, %arg4: memref<128x16xf32, #tpu.memory_space<vmem>>, %arg5: memref<16x1xf32, #tpu.memory_space<vmem>>, %arg6: memref<64x16xf32, #tpu.memory_space<vmem>>, %arg7: memref<64x1xf32, #tpu.memory_space<vmem>>, %arg8: memref<1x16xf32, #tpu.memory_space<smem>>, %arg9: memref<8x64xf32, #tpu.memory_space<vmem>>, %arg10: memref<8x1xf32, #tpu.memory_space<vmem>>, %arg11: memref<64x8xf32, #tpu.memory_space<vmem>>, %arg12: memref<64x1xf32, #tpu.memory_space<vmem>>, %arg13: memref<1x128xf32, #tpu.memory_space<vmem>>, %arg14: memref<1x1xf32, #tpu.memory_space<smem>>, %arg15: memref<32x1xf32, #tpu.memory_space<vmem>>, %arg16: memref<1x1xf32, #tpu.memory_space<smem>>, %arg17: memref<1x1x128xf32, #tpu.memory_space<vmem>>, %arg18: memref<256x32xf32, #tpu.memory_space<vmem>>, %arg19: memref<128x32xf32, #tpu.memory_space<vmem>>, %arg20: memref<16x128xf32, #tpu.memory_space<vmem>>, %arg21: memref<128x16xf32, #tpu.memory_space<vmem>>, %arg22: memref<128x128xf32, #tpu.memory_space<vmem>>, %arg23: memref<32x1xf32, #tpu.memory_space<vmem>>, %arg24: memref<128x1xf32, #tpu.memory_space<vmem>>, %arg25: memref<16x1xf32, #tpu.memory_space<vmem>>, %arg26: memref<128x1xf32, #tpu.memory_space<vmem>>, %arg27: memref<4096x128xf32, #tpu.memory_space<vmem>>) attributes {dimension_semantics = [#tpu.dimension_semantics<arbitrary>], iteration_bounds = array<i64: 32>, scalar_prefetch = 0 : i64, scratch_operands = 10 : i64, tpu.core_type = #tpu.core_type<tc>, window_params = [{transform_indices = @transform_0, window_bounds = array<i64: 4096, 256>}, {pipeline_mode = #tpu.pipeline_mode<synchronous>, transform_indices = @transform_1, window_bounds = array<i64: 32, 32>}, {transform_indices = @transform_2, window_bounds = array<i64: 1, 15>}, {pipeline_mode = #tpu.pipeline_mode<synchronous>, transform_indices = @transform_3, window_bounds = array<i64: 128, 16>}, {pipeline_mode = #tpu.pipeline_mode<synchronous>, transform_indices = @transform_4, window_bounds = array<i64: 16, 1>}, {pipeline_mode = #tpu.pipeline_mode<synchronous>, transform_indices = @transform_5, window_bounds = array<i64: 64, 16>}, {pipeline_mode = #tpu.pipeline_mode<synchronous>, transform_indices = @transform_6, window_bounds = array<i64: 64, 1>}, {transform_indices = @transform_7, window_bounds = array<i64: 1, 16>}, {pipeline_mode = #tpu.pipeline_mode<synchronous>, transform_indices = @transform_8, window_bounds = array<i64: 8, 64>}, {pipeline_mode = #tpu.pipeline_mode<synchronous>, transform_indices = @transform_9, window_bounds = array<i64: 8, 1>}, {pipeline_mode = #tpu.pipeline_mode<synchronous>, transform_indices = @transform_10, window_bounds = array<i64: 64, 8>}, {pipeline_mode = #tpu.pipeline_mode<synchronous>, transform_indices = @transform_11, window_bounds = array<i64: 64, 1>}, {pipeline_mode = #tpu.pipeline_mode<synchronous>, transform_indices = @transform_12, window_bounds = array<i64: 1, 128>}, {transform_indices = @transform_13, window_bounds = array<i64: 1, 1>}, {pipeline_mode = #tpu.pipeline_mode<synchronous>, transform_indices = @transform_14, window_bounds = array<i64: 32, 1>}, {transform_indices = @transform_15, window_bounds = array<i64: 1, 1>}, {transform_indices = @transform_16, window_bounds = array<i64: 1, 1, 128>}]} {
    %eq3A = arith.constant 0 : i32
    %eq3A_0 = arith.cmpi eq, %arg0, %eq3A : i32
    %convert_element_type3A = arith.extui %eq3A_0 : i1 to i32
    %cond3A = arith.constant 0 : i32
    %cond3A_1 = arith.cmpi ne, %convert_element_type3A, %cond3A : i32
    scf.if %cond3A_1 {
      %get3A_279 = arith.constant 0 : index
      %get3A_280 = arith.constant 0 : index
      %get3A_281 = vector.load %arg4[%get3A_279, %get3A_280] : memref<128x16xf32, #tpu.memory_space<vmem>>, vector<128x16xf32>
      %get3A_282 = arith.constant 0 : index
      %get3A_283 = arith.constant 7 : index
      %get3A_284 = memref.load %arg3[%get3A_282, %get3A_283] : memref<1x15xf32, #tpu.memory_space<smem>>
      %mul3A = vector.broadcast %get3A_284 : f32 to vector<128x16xf32>
      %mul3A_285 = arith.mulf %get3A_281, %mul3A : vector<128x16xf32>
      %slice3A_286 = vector.extract_strided_slice %get3A_281 {offsets = [7, 0], sizes = [121, 16], strides = [1, 1]} : vector<128x16xf32> to vector<121x16xf32>
      %broadcast_in_dim3A = arith.constant 0.000000e+00 : f32
      %broadcast_in_dim3A_287 = vector.broadcast %broadcast_in_dim3A : f32 to vector<7x16xf32>
      %concatenate3A_288 = tpu.concatenate %slice3A_286, %broadcast_in_dim3A_287 in 0 : vector<121x16xf32>, vector<7x16xf32> -> vector<128x16xf32>
      %get3A_289 = arith.constant 0 : index
      %get3A_290 = arith.constant 0 : index
      %get3A_291 = memref.load %arg3[%get3A_289, %get3A_290] : memref<1x15xf32, #tpu.memory_space<smem>>
      %mul3A_292 = vector.broadcast %get3A_291 : f32 to vector<128x16xf32>
      %mul3A_293 = arith.mulf %mul3A_292, %concatenate3A_288 : vector<128x16xf32>
      %add3A_294 = arith.addf %mul3A_285, %mul3A_293 : vector<128x16xf32>
      %slice3A_295 = vector.extract_strided_slice %get3A_281 {offsets = [6, 0], sizes = [122, 16], strides = [1, 1]} : vector<128x16xf32> to vector<122x16xf32>
      %broadcast_in_dim3A_296 = arith.constant 0.000000e+00 : f32
      %broadcast_in_dim3A_297 = vector.broadcast %broadcast_in_dim3A_296 : f32 to vector<6x16xf32>
      %concatenate3A_298 = tpu.concatenate %slice3A_295, %broadcast_in_dim3A_297 in 0 : vector<122x16xf32>, vector<6x16xf32> -> vector<128x16xf32>
      %get3A_299 = arith.constant 0 : index
      %get3A_300 = arith.constant 1 : index
      %get3A_301 = memref.load %arg3[%get3A_299, %get3A_300] : memref<1x15xf32, #tpu.memory_space<smem>>
      %mul3A_302 = vector.broadcast %get3A_301 : f32 to vector<128x16xf32>
      %mul3A_303 = arith.mulf %mul3A_302, %concatenate3A_298 : vector<128x16xf32>
      %add3A_304 = arith.addf %add3A_294, %mul3A_303 : vector<128x16xf32>
      %slice3A_305 = vector.extract_strided_slice %get3A_281 {offsets = [5, 0], sizes = [123, 16], strides = [1, 1]} : vector<128x16xf32> to vector<123x16xf32>
      %broadcast_in_dim3A_306 = arith.constant 0.000000e+00 : f32
      %broadcast_in_dim3A_307 = vector.broadcast %broadcast_in_dim3A_306 : f32 to vector<5x16xf32>
      %concatenate3A_308 = tpu.concatenate %slice3A_305, %broadcast_in_dim3A_307 in 0 : vector<123x16xf32>, vector<5x16xf32> -> vector<128x16xf32>
      %get3A_309 = arith.constant 0 : index
      %get3A_310 = arith.constant 2 : index
      %get3A_311 = memref.load %arg3[%get3A_309, %get3A_310] : memref<1x15xf32, #tpu.memory_space<smem>>
      %mul3A_312 = vector.broadcast %get3A_311 : f32 to vector<128x16xf32>
      %mul3A_313 = arith.mulf %mul3A_312, %concatenate3A_308 : vector<128x16xf32>
      %add3A_314 = arith.addf %add3A_304, %mul3A_313 : vector<128x16xf32>
      %slice3A_315 = vector.extract_strided_slice %get3A_281 {offsets = [4, 0], sizes = [124, 16], strides = [1, 1]} : vector<128x16xf32> to vector<124x16xf32>
      %broadcast_in_dim3A_316 = arith.constant 0.000000e+00 : f32
      %broadcast_in_dim3A_317 = vector.broadcast %broadcast_in_dim3A_316 : f32 to vector<4x16xf32>
      %concatenate3A_318 = tpu.concatenate %slice3A_315, %broadcast_in_dim3A_317 in 0 : vector<124x16xf32>, vector<4x16xf32> -> vector<128x16xf32>
      %get3A_319 = arith.constant 0 : index
      %get3A_320 = arith.constant 3 : index
      %get3A_321 = memref.load %arg3[%get3A_319, %get3A_320] : memref<1x15xf32, #tpu.memory_space<smem>>
      %mul3A_322 = vector.broadcast %get3A_321 : f32 to vector<128x16xf32>
      %mul3A_323 = arith.mulf %mul3A_322, %concatenate3A_318 : vector<128x16xf32>
      %add3A_324 = arith.addf %add3A_314, %mul3A_323 : vector<128x16xf32>
      %slice3A_325 = vector.extract_strided_slice %get3A_281 {offsets = [3, 0], sizes = [125, 16], strides = [1, 1]} : vector<128x16xf32> to vector<125x16xf32>
      %broadcast_in_dim3A_326 = arith.constant 0.000000e+00 : f32
      %broadcast_in_dim3A_327 = vector.broadcast %broadcast_in_dim3A_326 : f32 to vector<3x16xf32>
      %concatenate3A_328 = tpu.concatenate %slice3A_325, %broadcast_in_dim3A_327 in 0 : vector<125x16xf32>, vector<3x16xf32> -> vector<128x16xf32>
      %get3A_329 = arith.constant 0 : index
      %get3A_330 = arith.constant 4 : index
      %get3A_331 = memref.load %arg3[%get3A_329, %get3A_330] : memref<1x15xf32, #tpu.memory_space<smem>>
      %mul3A_332 = vector.broadcast %get3A_331 : f32 to vector<128x16xf32>
      %mul3A_333 = arith.mulf %mul3A_332, %concatenate3A_328 : vector<128x16xf32>
      %add3A_334 = arith.addf %add3A_324, %mul3A_333 : vector<128x16xf32>
      %slice3A_335 = vector.extract_strided_slice %get3A_281 {offsets = [2, 0], sizes = [126, 16], strides = [1, 1]} : vector<128x16xf32> to vector<126x16xf32>
      %broadcast_in_dim3A_336 = arith.constant 0.000000e+00 : f32
      %broadcast_in_dim3A_337 = vector.broadcast %broadcast_in_dim3A_336 : f32 to vector<2x16xf32>
      %concatenate3A_338 = tpu.concatenate %slice3A_335, %broadcast_in_dim3A_337 in 0 : vector<126x16xf32>, vector<2x16xf32> -> vector<128x16xf32>
      %get3A_339 = arith.constant 0 : index
      %get3A_340 = arith.constant 5 : index
      %get3A_341 = memref.load %arg3[%get3A_339, %get3A_340] : memref<1x15xf32, #tpu.memory_space<smem>>
      %mul3A_342 = vector.broadcast %get3A_341 : f32 to vector<128x16xf32>
      %mul3A_343 = arith.mulf %mul3A_342, %concatenate3A_338 : vector<128x16xf32>
      %add3A_344 = arith.addf %add3A_334, %mul3A_343 : vector<128x16xf32>
      %slice3A_345 = vector.extract_strided_slice %get3A_281 {offsets = [1, 0], sizes = [127, 16], strides = [1, 1]} : vector<128x16xf32> to vector<127x16xf32>
      %broadcast_in_dim3A_346 = arith.constant 0.000000e+00 : f32
      %broadcast_in_dim3A_347 = vector.broadcast %broadcast_in_dim3A_346 : f32 to vector<1x16xf32>
      %concatenate3A_348 = tpu.concatenate %slice3A_345, %broadcast_in_dim3A_347 in 0 : vector<127x16xf32>, vector<1x16xf32> -> vector<128x16xf32>
      %get3A_349 = arith.constant 0 : index
      %get3A_350 = arith.constant 6 : index
      %get3A_351 = memref.load %arg3[%get3A_349, %get3A_350] : memref<1x15xf32, #tpu.memory_space<smem>>
      %mul3A_352 = vector.broadcast %get3A_351 : f32 to vector<128x16xf32>
      %mul3A_353 = arith.mulf %mul3A_352, %concatenate3A_348 : vector<128x16xf32>
      %add3A_354 = arith.addf %add3A_344, %mul3A_353 : vector<128x16xf32>
      %broadcast_in_dim3A_355 = arith.constant 0.000000e+00 : f32
      %broadcast_in_dim3A_356 = vector.broadcast %broadcast_in_dim3A_355 : f32 to vector<1x16xf32>
      %slice3A_357 = vector.extract_strided_slice %get3A_281 {offsets = [0, 0], sizes = [127, 16], strides = [1, 1]} : vector<128x16xf32> to vector<127x16xf32>
      %concatenate3A_358 = tpu.concatenate %broadcast_in_dim3A_356, %slice3A_357 in 0 : vector<1x16xf32>, vector<127x16xf32> -> vector<128x16xf32>
      %get3A_359 = arith.constant 0 : index
      %get3A_360 = arith.constant 8 : index
      %get3A_361 = memref.load %arg3[%get3A_359, %get3A_360] : memref<1x15xf32, #tpu.memory_space<smem>>
      %mul3A_362 = vector.broadcast %get3A_361 : f32 to vector<128x16xf32>
      %mul3A_363 = arith.mulf %mul3A_362, %concatenate3A_358 : vector<128x16xf32>
      %add3A_364 = arith.addf %add3A_354, %mul3A_363 : vector<128x16xf32>
      %broadcast_in_dim3A_365 = arith.constant 0.000000e+00 : f32
      %broadcast_in_dim3A_366 = vector.broadcast %broadcast_in_dim3A_365 : f32 to vector<2x16xf32>
      %slice3A_367 = vector.extract_strided_slice %get3A_281 {offsets = [0, 0], sizes = [126, 16], strides = [1, 1]} : vector<128x16xf32> to vector<126x16xf32>
      %concatenate3A_368 = tpu.concatenate %broadcast_in_dim3A_366, %slice3A_367 in 0 : vector<2x16xf32>, vector<126x16xf32> -> vector<128x16xf32>
      %get3A_369 = arith.constant 0 : index
      %get3A_370 = arith.constant 9 : index
      %get3A_371 = memref.load %arg3[%get3A_369, %get3A_370] : memref<1x15xf32, #tpu.memory_space<smem>>
      %mul3A_372 = vector.broadcast %get3A_371 : f32 to vector<128x16xf32>
      %mul3A_373 = arith.mulf %mul3A_372, %concatenate3A_368 : vector<128x16xf32>
      %add3A_374 = arith.addf %add3A_364, %mul3A_373 : vector<128x16xf32>
      %broadcast_in_dim3A_375 = arith.constant 0.000000e+00 : f32
      %broadcast_in_dim3A_376 = vector.broadcast %broadcast_in_dim3A_375 : f32 to vector<3x16xf32>
      %slice3A_377 = vector.extract_strided_slice %get3A_281 {offsets = [0, 0], sizes = [125, 16], strides = [1, 1]} : vector<128x16xf32> to vector<125x16xf32>
      %concatenate3A_378 = tpu.concatenate %broadcast_in_dim3A_376, %slice3A_377 in 0 : vector<3x16xf32>, vector<125x16xf32> -> vector<128x16xf32>
      %get3A_379 = arith.constant 0 : index
      %get3A_380 = arith.constant 10 : index
      %get3A_381 = memref.load %arg3[%get3A_379, %get3A_380] : memref<1x15xf32, #tpu.memory_space<smem>>
      %mul3A_382 = vector.broadcast %get3A_381 : f32 to vector<128x16xf32>
      %mul3A_383 = arith.mulf %mul3A_382, %concatenate3A_378 : vector<128x16xf32>
      %add3A_384 = arith.addf %add3A_374, %mul3A_383 : vector<128x16xf32>
      %broadcast_in_dim3A_385 = arith.constant 0.000000e+00 : f32
      %broadcast_in_dim3A_386 = vector.broadcast %broadcast_in_dim3A_385 : f32 to vector<4x16xf32>
      %slice3A_387 = vector.extract_strided_slice %get3A_281 {offsets = [0, 0], sizes = [124, 16], strides = [1, 1]} : vector<128x16xf32> to vector<124x16xf32>
      %concatenate3A_388 = tpu.concatenate %broadcast_in_dim3A_386, %slice3A_387 in 0 : vector<4x16xf32>, vector<124x16xf32> -> vector<128x16xf32>
      %get3A_389 = arith.constant 0 : index
      %get3A_390 = arith.constant 11 : index
      %get3A_391 = memref.load %arg3[%get3A_389, %get3A_390] : memref<1x15xf32, #tpu.memory_space<smem>>
      %mul3A_392 = vector.broadcast %get3A_391 : f32 to vector<128x16xf32>
      %mul3A_393 = arith.mulf %mul3A_392, %concatenate3A_388 : vector<128x16xf32>
      %add3A_394 = arith.addf %add3A_384, %mul3A_393 : vector<128x16xf32>
      %broadcast_in_dim3A_395 = arith.constant 0.000000e+00 : f32
      %broadcast_in_dim3A_396 = vector.broadcast %broadcast_in_dim3A_395 : f32 to vector<5x16xf32>
      %slice3A_397 = vector.extract_strided_slice %get3A_281 {offsets = [0, 0], sizes = [123, 16], strides = [1, 1]} : vector<128x16xf32> to vector<123x16xf32>
      %concatenate3A_398 = tpu.concatenate %broadcast_in_dim3A_396, %slice3A_397 in 0 : vector<5x16xf32>, vector<123x16xf32> -> vector<128x16xf32>
      %get3A_399 = arith.constant 0 : index
      %get3A_400 = arith.constant 12 : index
      %get3A_401 = memref.load %arg3[%get3A_399, %get3A_400] : memref<1x15xf32, #tpu.memory_space<smem>>
      %mul3A_402 = vector.broadcast %get3A_401 : f32 to vector<128x16xf32>
      %mul3A_403 = arith.mulf %mul3A_402, %concatenate3A_398 : vector<128x16xf32>
      %add3A_404 = arith.addf %add3A_394, %mul3A_403 : vector<128x16xf32>
      %broadcast_in_dim3A_405 = arith.constant 0.000000e+00 : f32
      %broadcast_in_dim3A_406 = vector.broadcast %broadcast_in_dim3A_405 : f32 to vector<6x16xf32>
      %slice3A_407 = vector.extract_strided_slice %get3A_281 {offsets = [0, 0], sizes = [122, 16], strides = [1, 1]} : vector<128x16xf32> to vector<122x16xf32>
      %concatenate3A_408 = tpu.concatenate %broadcast_in_dim3A_406, %slice3A_407 in 0 : vector<6x16xf32>, vector<122x16xf32> -> vector<128x16xf32>
      %get3A_409 = arith.constant 0 : index
      %get3A_410 = arith.constant 13 : index
      %get3A_411 = memref.load %arg3[%get3A_409, %get3A_410] : memref<1x15xf32, #tpu.memory_space<smem>>
      %mul3A_412 = vector.broadcast %get3A_411 : f32 to vector<128x16xf32>
      %mul3A_413 = arith.mulf %mul3A_412, %concatenate3A_408 : vector<128x16xf32>
      %add3A_414 = arith.addf %add3A_404, %mul3A_413 : vector<128x16xf32>
      %broadcast_in_dim3A_415 = arith.constant 0.000000e+00 : f32
      %broadcast_in_dim3A_416 = vector.broadcast %broadcast_in_dim3A_415 : f32 to vector<7x16xf32>
      %slice3A_417 = vector.extract_strided_slice %get3A_281 {offsets = [0, 0], sizes = [121, 16], strides = [1, 1]} : vector<128x16xf32> to vector<121x16xf32>
      %concatenate3A_418 = tpu.concatenate %broadcast_in_dim3A_416, %slice3A_417 in 0 : vector<7x16xf32>, vector<121x16xf32> -> vector<128x16xf32>
      %get3A_419 = arith.constant 0 : index
      %get3A_420 = arith.constant 14 : index
      %get3A_421 = memref.load %arg3[%get3A_419, %get3A_420] : memref<1x15xf32, #tpu.memory_space<smem>>
      %mul3A_422 = vector.broadcast %get3A_421 : f32 to vector<128x16xf32>
      %mul3A_423 = arith.mulf %mul3A_422, %concatenate3A_418 : vector<128x16xf32>
      %add3A_424 = arith.addf %add3A_414, %mul3A_423 : vector<128x16xf32>
      %broadcast_in_dim3A_425 = arith.constant 0.000000e+00 : f32
      %broadcast_in_dim3A_426 = vector.broadcast %broadcast_in_dim3A_425 : f32 to vector<128x16xf32>
      %concatenate3A_427 = tpu.concatenate %add3A_424, %broadcast_in_dim3A_426 in 1 : vector<128x16xf32>, vector<128x16xf32> -> vector<128x32xf32>
      %concatenate3A_428 = tpu.concatenate %broadcast_in_dim3A_426, %add3A_424 in 1 : vector<128x16xf32>, vector<128x16xf32> -> vector<128x32xf32>
      %concatenate3A_429 = tpu.concatenate %concatenate3A_427, %concatenate3A_428 in 0 : vector<128x32xf32>, vector<128x32xf32> -> vector<256x32xf32>
      %swap3A_430 = arith.constant 0 : index
      %swap3A_431 = arith.constant 0 : index
      %swap3A_432 = vector.load %arg18[%swap3A_430, %swap3A_431] : memref<256x32xf32, #tpu.memory_space<vmem>>, vector<256x32xf32>
      tpu.vector_store %arg18[%swap3A_430, %swap3A_431], %concatenate3A_429 {strides = array<i32>} : memref<256x32xf32, #tpu.memory_space<vmem>>, vector<256x32xf32>,
      %get3A_433 = arith.constant 0 : index
      %get3A_434 = arith.constant 0 : index
      %get3A_435 = vector.load %arg6[%get3A_433, %get3A_434] : memref<64x16xf32, #tpu.memory_space<vmem>>, vector<64x16xf32>
      %broadcast_in_dim3A_436 = arith.constant 0.000000e+00 : f32
      %broadcast_in_dim3A_437 = vector.broadcast %broadcast_in_dim3A_436 : f32 to vector<64x16xf32>
      %concatenate3A_438 = tpu.concatenate %get3A_435, %broadcast_in_dim3A_437 in 1 : vector<64x16xf32>, vector<64x16xf32> -> vector<64x32xf32>
      %concatenate3A_439 = tpu.concatenate %broadcast_in_dim3A_437, %get3A_435 in 1 : vector<64x16xf32>, vector<64x16xf32> -> vector<64x32xf32>
      %concatenate3A_440 = tpu.concatenate %concatenate3A_438, %concatenate3A_439 in 0 : vector<64x32xf32>, vector<64x32xf32> -> vector<128x32xf32>
      %swap3A_441 = arith.constant 0 : index
      %swap3A_442 = arith.constant 0 : index
      %swap3A_443 = vector.load %arg19[%swap3A_441, %swap3A_442] : memref<128x32xf32, #tpu.memory_space<vmem>>, vector<128x32xf32>
      tpu.vector_store %arg19[%swap3A_441, %swap3A_442], %concatenate3A_440 {strides = array<i32>} : memref<128x32xf32, #tpu.memory_space<vmem>>, vector<128x32xf32>,
      %get3A_444 = arith.constant 0 : index
      %get3A_445 = arith.constant 0 : index
      %get3A_446 = vector.load %arg9[%get3A_444, %get3A_445] : memref<8x64xf32, #tpu.memory_space<vmem>>, vector<8x64xf32>
      %get3A_447 = arith.constant 0 : index
      %get3A_448 = arith.constant 7 : index
      %get3A_449 = memref.load %arg8[%get3A_447, %get3A_448] : memref<1x16xf32, #tpu.memory_space<smem>>
      %mul3A_450 = vector.broadcast %get3A_449 : f32 to vector<8x64xf32>
      %mul3A_451 = arith.mulf %get3A_446, %mul3A_450 : vector<8x64xf32>
      %slice3A_452 = vector.extract_strided_slice %get3A_446 {offsets = [0, 7], sizes = [8, 57], strides = [1, 1]} : vector<8x64xf32> to vector<8x57xf32>
      %broadcast_in_dim3A_453 = arith.constant 0.000000e+00 : f32
      %broadcast_in_dim3A_454 = vector.broadcast %broadcast_in_dim3A_453 : f32 to vector<8x7xf32>
      %concatenate3A_455 = tpu.concatenate %slice3A_452, %broadcast_in_dim3A_454 in 1 : vector<8x57xf32>, vector<8x7xf32> -> vector<8x64xf32>
      %get3A_456 = arith.constant 0 : index
      %get3A_457 = arith.constant 0 : index
      %get3A_458 = memref.load %arg8[%get3A_456, %get3A_457] : memref<1x16xf32, #tpu.memory_space<smem>>
      %mul3A_459 = vector.broadcast %get3A_458 : f32 to vector<8x64xf32>
      %mul3A_460 = arith.mulf %mul3A_459, %concatenate3A_455 : vector<8x64xf32>
      %add3A_461 = arith.addf %mul3A_451, %mul3A_460 : vector<8x64xf32>
      %slice3A_462 = vector.extract_strided_slice %get3A_446 {offsets = [0, 6], sizes = [8, 58], strides = [1, 1]} : vector<8x64xf32> to vector<8x58xf32>
      %broadcast_in_dim3A_463 = arith.constant 0.000000e+00 : f32
      %broadcast_in_dim3A_464 = vector.broadcast %broadcast_in_dim3A_463 : f32 to vector<8x6xf32>
      %concatenate3A_465 = tpu.concatenate %slice3A_462, %broadcast_in_dim3A_464 in 1 : vector<8x58xf32>, vector<8x6xf32> -> vector<8x64xf32>
      %get3A_466 = arith.constant 0 : index
      %get3A_467 = arith.constant 1 : index
      %get3A_468 = memref.load %arg8[%get3A_466, %get3A_467] : memref<1x16xf32, #tpu.memory_space<smem>>
      %mul3A_469 = vector.broadcast %get3A_468 : f32 to vector<8x64xf32>
      %mul3A_470 = arith.mulf %mul3A_469, %concatenate3A_465 : vector<8x64xf32>
      %add3A_471 = arith.addf %add3A_461, %mul3A_470 : vector<8x64xf32>
      %slice3A_472 = vector.extract_strided_slice %get3A_446 {offsets = [0, 5], sizes = [8, 59], strides = [1, 1]} : vector<8x64xf32> to vector<8x59xf32>
      %broadcast_in_dim3A_473 = arith.constant 0.000000e+00 : f32
      %broadcast_in_dim3A_474 = vector.broadcast %broadcast_in_dim3A_473 : f32 to vector<8x5xf32>
      %concatenate3A_475 = tpu.concatenate %slice3A_472, %broadcast_in_dim3A_474 in 1 : vector<8x59xf32>, vector<8x5xf32> -> vector<8x64xf32>
      %get3A_476 = arith.constant 0 : index
      %get3A_477 = arith.constant 2 : index
      %get3A_478 = memref.load %arg8[%get3A_476, %get3A_477] : memref<1x16xf32, #tpu.memory_space<smem>>
      %mul3A_479 = vector.broadcast %get3A_478 : f32 to vector<8x64xf32>
      %mul3A_480 = arith.mulf %mul3A_479, %concatenate3A_475 : vector<8x64xf32>
      %add3A_481 = arith.addf %add3A_471, %mul3A_480 : vector<8x64xf32>
      %slice3A_482 = vector.extract_strided_slice %get3A_446 {offsets = [0, 4], sizes = [8, 60], strides = [1, 1]} : vector<8x64xf32> to vector<8x60xf32>
      %broadcast_in_dim3A_483 = arith.constant 0.000000e+00 : f32
      %broadcast_in_dim3A_484 = vector.broadcast %broadcast_in_dim3A_483 : f32 to vector<8x4xf32>
      %concatenate3A_485 = tpu.concatenate %slice3A_482, %broadcast_in_dim3A_484 in 1 : vector<8x60xf32>, vector<8x4xf32> -> vector<8x64xf32>
      %get3A_486 = arith.constant 0 : index
      %get3A_487 = arith.constant 3 : index
      %get3A_488 = memref.load %arg8[%get3A_486, %get3A_487] : memref<1x16xf32, #tpu.memory_space<smem>>
      %mul3A_489 = vector.broadcast %get3A_488 : f32 to vector<8x64xf32>
      %mul3A_490 = arith.mulf %mul3A_489, %concatenate3A_485 : vector<8x64xf32>
      %add3A_491 = arith.addf %add3A_481, %mul3A_490 : vector<8x64xf32>
      %slice3A_492 = vector.extract_strided_slice %get3A_446 {offsets = [0, 3], sizes = [8, 61], strides = [1, 1]} : vector<8x64xf32> to vector<8x61xf32>
      %broadcast_in_dim3A_493 = arith.constant 0.000000e+00 : f32
      %broadcast_in_dim3A_494 = vector.broadcast %broadcast_in_dim3A_493 : f32 to vector<8x3xf32>
      %concatenate3A_495 = tpu.concatenate %slice3A_492, %broadcast_in_dim3A_494 in 1 : vector<8x61xf32>, vector<8x3xf32> -> vector<8x64xf32>
      %get3A_496 = arith.constant 0 : index
      %get3A_497 = arith.constant 4 : index
      %get3A_498 = memref.load %arg8[%get3A_496, %get3A_497] : memref<1x16xf32, #tpu.memory_space<smem>>
      %mul3A_499 = vector.broadcast %get3A_498 : f32 to vector<8x64xf32>
      %mul3A_500 = arith.mulf %mul3A_499, %concatenate3A_495 : vector<8x64xf32>
      %add3A_501 = arith.addf %add3A_491, %mul3A_500 : vector<8x64xf32>
      %slice3A_502 = vector.extract_strided_slice %get3A_446 {offsets = [0, 2], sizes = [8, 62], strides = [1, 1]} : vector<8x64xf32> to vector<8x62xf32>
      %broadcast_in_dim3A_503 = arith.constant 0.000000e+00 : f32
      %broadcast_in_dim3A_504 = vector.broadcast %broadcast_in_dim3A_503 : f32 to vector<8x2xf32>
      %concatenate3A_505 = tpu.concatenate %slice3A_502, %broadcast_in_dim3A_504 in 1 : vector<8x62xf32>, vector<8x2xf32> -> vector<8x64xf32>
      %get3A_506 = arith.constant 0 : index
      %get3A_507 = arith.constant 5 : index
      %get3A_508 = memref.load %arg8[%get3A_506, %get3A_507] : memref<1x16xf32, #tpu.memory_space<smem>>
      %mul3A_509 = vector.broadcast %get3A_508 : f32 to vector<8x64xf32>
      %mul3A_510 = arith.mulf %mul3A_509, %concatenate3A_505 : vector<8x64xf32>
      %add3A_511 = arith.addf %add3A_501, %mul3A_510 : vector<8x64xf32>
      %slice3A_512 = vector.extract_strided_slice %get3A_446 {offsets = [0, 1], sizes = [8, 63], strides = [1, 1]} : vector<8x64xf32> to vector<8x63xf32>
      %broadcast_in_dim3A_513 = arith.constant 0.000000e+00 : f32
      %broadcast_in_dim3A_514 = vector.broadcast %broadcast_in_dim3A_513 : f32 to vector<8x1xf32>
      %concatenate3A_515 = tpu.concatenate %slice3A_512, %broadcast_in_dim3A_514 in 1 : vector<8x63xf32>, vector<8x1xf32> -> vector<8x64xf32>
      %get3A_516 = arith.constant 0 : index
      %get3A_517 = arith.constant 6 : index
      %get3A_518 = memref.load %arg8[%get3A_516, %get3A_517] : memref<1x16xf32, #tpu.memory_space<smem>>
      %mul3A_519 = vector.broadcast %get3A_518 : f32 to vector<8x64xf32>
      %mul3A_520 = arith.mulf %mul3A_519, %concatenate3A_515 : vector<8x64xf32>
      %add3A_521 = arith.addf %add3A_511, %mul3A_520 : vector<8x64xf32>
      %broadcast_in_dim3A_522 = arith.constant 0.000000e+00 : f32
      %broadcast_in_dim3A_523 = vector.broadcast %broadcast_in_dim3A_522 : f32 to vector<8x1xf32>
      %slice3A_524 = vector.extract_strided_slice %get3A_446 {offsets = [0, 0], sizes = [8, 63], strides = [1, 1]} : vector<8x64xf32> to vector<8x63xf32>
      %concatenate3A_525 = tpu.concatenate %broadcast_in_dim3A_523, %slice3A_524 in 1 : vector<8x1xf32>, vector<8x63xf32> -> vector<8x64xf32>
      %get3A_526 = arith.constant 0 : index
      %get3A_527 = arith.constant 8 : index
      %get3A_528 = memref.load %arg8[%get3A_526, %get3A_527] : memref<1x16xf32, #tpu.memory_space<smem>>
      %mul3A_529 = vector.broadcast %get3A_528 : f32 to vector<8x64xf32>
      %mul3A_530 = arith.mulf %mul3A_529, %concatenate3A_525 : vector<8x64xf32>
      %add3A_531 = arith.addf %add3A_521, %mul3A_530 : vector<8x64xf32>
      %broadcast_in_dim3A_532 = arith.constant 0.000000e+00 : f32
      %broadcast_in_dim3A_533 = vector.broadcast %broadcast_in_dim3A_532 : f32 to vector<8x2xf32>
      %slice3A_534 = vector.extract_strided_slice %get3A_446 {offsets = [0, 0], sizes = [8, 62], strides = [1, 1]} : vector<8x64xf32> to vector<8x62xf32>
      %concatenate3A_535 = tpu.concatenate %broadcast_in_dim3A_533, %slice3A_534 in 1 : vector<8x2xf32>, vector<8x62xf32> -> vector<8x64xf32>
      %get3A_536 = arith.constant 0 : index
      %get3A_537 = arith.constant 9 : index
      %get3A_538 = memref.load %arg8[%get3A_536, %get3A_537] : memref<1x16xf32, #tpu.memory_space<smem>>
      %mul3A_539 = vector.broadcast %get3A_538 : f32 to vector<8x64xf32>
      %mul3A_540 = arith.mulf %mul3A_539, %concatenate3A_535 : vector<8x64xf32>
      %add3A_541 = arith.addf %add3A_531, %mul3A_540 : vector<8x64xf32>
      %broadcast_in_dim3A_542 = arith.constant 0.000000e+00 : f32
      %broadcast_in_dim3A_543 = vector.broadcast %broadcast_in_dim3A_542 : f32 to vector<8x3xf32>
      %slice3A_544 = vector.extract_strided_slice %get3A_446 {offsets = [0, 0], sizes = [8, 61], strides = [1, 1]} : vector<8x64xf32> to vector<8x61xf32>
      %concatenate3A_545 = tpu.concatenate %broadcast_in_dim3A_543, %slice3A_544 in 1 : vector<8x3xf32>, vector<8x61xf32> -> vector<8x64xf32>
      %get3A_546 = arith.constant 0 : index
      %get3A_547 = arith.constant 10 : index
      %get3A_548 = memref.load %arg8[%get3A_546, %get3A_547] : memref<1x16xf32, #tpu.memory_space<smem>>
      %mul3A_549 = vector.broadcast %get3A_548 : f32 to vector<8x64xf32>
      %mul3A_550 = arith.mulf %mul3A_549, %concatenate3A_545 : vector<8x64xf32>
      %add3A_551 = arith.addf %add3A_541, %mul3A_550 : vector<8x64xf32>
      %broadcast_in_dim3A_552 = arith.constant 0.000000e+00 : f32
      %broadcast_in_dim3A_553 = vector.broadcast %broadcast_in_dim3A_552 : f32 to vector<8x4xf32>
      %slice3A_554 = vector.extract_strided_slice %get3A_446 {offsets = [0, 0], sizes = [8, 60], strides = [1, 1]} : vector<8x64xf32> to vector<8x60xf32>
      %concatenate3A_555 = tpu.concatenate %broadcast_in_dim3A_553, %slice3A_554 in 1 : vector<8x4xf32>, vector<8x60xf32> -> vector<8x64xf32>
      %get3A_556 = arith.constant 0 : index
      %get3A_557 = arith.constant 11 : index
      %get3A_558 = memref.load %arg8[%get3A_556, %get3A_557] : memref<1x16xf32, #tpu.memory_space<smem>>
      %mul3A_559 = vector.broadcast %get3A_558 : f32 to vector<8x64xf32>
      %mul3A_560 = arith.mulf %mul3A_559, %concatenate3A_555 : vector<8x64xf32>
      %add3A_561 = arith.addf %add3A_551, %mul3A_560 : vector<8x64xf32>
      %broadcast_in_dim3A_562 = arith.constant 0.000000e+00 : f32
      %broadcast_in_dim3A_563 = vector.broadcast %broadcast_in_dim3A_562 : f32 to vector<8x5xf32>
      %slice3A_564 = vector.extract_strided_slice %get3A_446 {offsets = [0, 0], sizes = [8, 59], strides = [1, 1]} : vector<8x64xf32> to vector<8x59xf32>
      %concatenate3A_565 = tpu.concatenate %broadcast_in_dim3A_563, %slice3A_564 in 1 : vector<8x5xf32>, vector<8x59xf32> -> vector<8x64xf32>
      %get3A_566 = arith.constant 0 : index
      %get3A_567 = arith.constant 12 : index
      %get3A_568 = memref.load %arg8[%get3A_566, %get3A_567] : memref<1x16xf32, #tpu.memory_space<smem>>
      %mul3A_569 = vector.broadcast %get3A_568 : f32 to vector<8x64xf32>
      %mul3A_570 = arith.mulf %mul3A_569, %concatenate3A_565 : vector<8x64xf32>
      %add3A_571 = arith.addf %add3A_561, %mul3A_570 : vector<8x64xf32>
      %broadcast_in_dim3A_572 = arith.constant 0.000000e+00 : f32
      %broadcast_in_dim3A_573 = vector.broadcast %broadcast_in_dim3A_572 : f32 to vector<8x6xf32>
      %slice3A_574 = vector.extract_strided_slice %get3A_446 {offsets = [0, 0], sizes = [8, 58], strides = [1, 1]} : vector<8x64xf32> to vector<8x58xf32>
      %concatenate3A_575 = tpu.concatenate %broadcast_in_dim3A_573, %slice3A_574 in 1 : vector<8x6xf32>, vector<8x58xf32> -> vector<8x64xf32>
      %get3A_576 = arith.constant 0 : index
      %get3A_577 = arith.constant 13 : index
      %get3A_578 = memref.load %arg8[%get3A_576, %get3A_577] : memref<1x16xf32, #tpu.memory_space<smem>>
      %mul3A_579 = vector.broadcast %get3A_578 : f32 to vector<8x64xf32>
      %mul3A_580 = arith.mulf %mul3A_579, %concatenate3A_575 : vector<8x64xf32>
      %add3A_581 = arith.addf %add3A_571, %mul3A_580 : vector<8x64xf32>
      %broadcast_in_dim3A_582 = arith.constant 0.000000e+00 : f32
      %broadcast_in_dim3A_583 = vector.broadcast %broadcast_in_dim3A_582 : f32 to vector<8x7xf32>
      %slice3A_584 = vector.extract_strided_slice %get3A_446 {offsets = [0, 0], sizes = [8, 57], strides = [1, 1]} : vector<8x64xf32> to vector<8x57xf32>
      %concatenate3A_585 = tpu.concatenate %broadcast_in_dim3A_583, %slice3A_584 in 1 : vector<8x7xf32>, vector<8x57xf32> -> vector<8x64xf32>
      %get3A_586 = arith.constant 0 : index
      %get3A_587 = arith.constant 14 : index
      %get3A_588 = memref.load %arg8[%get3A_586, %get3A_587] : memref<1x16xf32, #tpu.memory_space<smem>>
      %mul3A_589 = vector.broadcast %get3A_588 : f32 to vector<8x64xf32>
      %mul3A_590 = arith.mulf %mul3A_589, %concatenate3A_585 : vector<8x64xf32>
      %add3A_591 = arith.addf %add3A_581, %mul3A_590 : vector<8x64xf32>
      %broadcast_in_dim3A_592 = arith.constant 0.000000e+00 : f32
      %broadcast_in_dim3A_593 = vector.broadcast %broadcast_in_dim3A_592 : f32 to vector<8x8xf32>
      %slice3A_594 = vector.extract_strided_slice %get3A_446 {offsets = [0, 0], sizes = [8, 56], strides = [1, 1]} : vector<8x64xf32> to vector<8x56xf32>
      %concatenate3A_595 = tpu.concatenate %broadcast_in_dim3A_593, %slice3A_594 in 1 : vector<8x8xf32>, vector<8x56xf32> -> vector<8x64xf32>
      %get3A_596 = arith.constant 0 : index
      %get3A_597 = arith.constant 15 : index
      %get3A_598 = memref.load %arg8[%get3A_596, %get3A_597] : memref<1x16xf32, #tpu.memory_space<smem>>
      %mul3A_599 = vector.broadcast %get3A_598 : f32 to vector<8x64xf32>
      %mul3A_600 = arith.mulf %mul3A_599, %concatenate3A_595 : vector<8x64xf32>
      %add3A_601 = arith.addf %add3A_591, %mul3A_600 : vector<8x64xf32>
      %broadcast_in_dim3A_602 = arith.constant 0.000000e+00 : f32
      %broadcast_in_dim3A_603 = vector.broadcast %broadcast_in_dim3A_602 : f32 to vector<8x64xf32>
      %concatenate3A_604 = tpu.concatenate %add3A_601, %broadcast_in_dim3A_603 in 1 : vector<8x64xf32>, vector<8x64xf32> -> vector<8x128xf32>
      %concatenate3A_605 = tpu.concatenate %broadcast_in_dim3A_603, %add3A_601 in 1 : vector<8x64xf32>, vector<8x64xf32> -> vector<8x128xf32>
      %concatenate3A_606 = tpu.concatenate %concatenate3A_604, %concatenate3A_605 in 0 : vector<8x128xf32>, vector<8x128xf32> -> vector<16x128xf32>
      %swap3A_607 = arith.constant 0 : index
      %swap3A_608 = arith.constant 0 : index
      %swap3A_609 = vector.load %arg20[%swap3A_607, %swap3A_608] : memref<16x128xf32, #tpu.memory_space<vmem>>, vector<16x128xf32>
      tpu.vector_store %arg20[%swap3A_607, %swap3A_608], %concatenate3A_606 {strides = array<i32>} : memref<16x128xf32, #tpu.memory_space<vmem>>, vector<16x128xf32>,
      %get3A_610 = arith.constant 0 : index
      %get3A_611 = arith.constant 0 : index
      %get3A_612 = vector.load %arg11[%get3A_610, %get3A_611] : memref<64x8xf32, #tpu.memory_space<vmem>>, vector<64x8xf32>
      %broadcast_in_dim3A_613 = arith.constant 0.000000e+00 : f32
      %broadcast_in_dim3A_614 = vector.broadcast %broadcast_in_dim3A_613 : f32 to vector<64x8xf32>
      %concatenate3A_615 = tpu.concatenate %get3A_612, %broadcast_in_dim3A_614 in 1 : vector<64x8xf32>, vector<64x8xf32> -> vector<64x16xf32>
      %concatenate3A_616 = tpu.concatenate %broadcast_in_dim3A_614, %get3A_612 in 1 : vector<64x8xf32>, vector<64x8xf32> -> vector<64x16xf32>
      %concatenate3A_617 = tpu.concatenate %concatenate3A_615, %concatenate3A_616 in 0 : vector<64x16xf32>, vector<64x16xf32> -> vector<128x16xf32>
      %swap3A_618 = arith.constant 0 : index
      %swap3A_619 = arith.constant 0 : index
      %swap3A_620 = vector.load %arg21[%swap3A_618, %swap3A_619] : memref<128x16xf32, #tpu.memory_space<vmem>>, vector<128x16xf32>
      tpu.vector_store %arg21[%swap3A_618, %swap3A_619], %concatenate3A_617 {strides = array<i32>} : memref<128x16xf32, #tpu.memory_space<vmem>>, vector<128x16xf32>,
      %get3A_621 = arith.constant 0 : index
      %get3A_622 = arith.constant 0 : index
      %get3A_623 = vector.load %arg5[%get3A_621, %get3A_622] : memref<16x1xf32, #tpu.memory_space<vmem>>, vector<16x1xf32>
      %get3A_624 = arith.constant 0 : index
      %get3A_625 = arith.constant 0 : index
      %get3A_626 = vector.load %arg5[%get3A_624, %get3A_625] : memref<16x1xf32, #tpu.memory_space<vmem>>, vector<16x1xf32>
      %concatenate3A_627 = tpu.concatenate %get3A_623, %get3A_626 in 0 : vector<16x1xf32>, vector<16x1xf32> -> vector<32x1xf32>
      %swap3A_628 = arith.constant 0 : index
      %swap3A_629 = arith.constant 0 : index
      %swap3A_630 = vector.load %arg23[%swap3A_628, %swap3A_629] : memref<32x1xf32, #tpu.memory_space<vmem>>, vector<32x1xf32>
      tpu.vector_store %arg23[%swap3A_628, %swap3A_629], %concatenate3A_627 {strides = array<i32>} : memref<32x1xf32, #tpu.memory_space<vmem>>, vector<32x1xf32>,
      %get3A_631 = arith.constant 0 : index
      %get3A_632 = arith.constant 0 : index
      %get3A_633 = vector.load %arg7[%get3A_631, %get3A_632] : memref<64x1xf32, #tpu.memory_space<vmem>>, vector<64x1xf32>
      %get3A_634 = arith.constant 0 : index
      %get3A_635 = arith.constant 0 : index
      %get3A_636 = vector.load %arg7[%get3A_634, %get3A_635] : memref<64x1xf32, #tpu.memory_space<vmem>>, vector<64x1xf32>
      %concatenate3A_637 = tpu.concatenate %get3A_633, %get3A_636 in 0 : vector<64x1xf32>, vector<64x1xf32> -> vector<128x1xf32>
      %swap3A_638 = arith.constant 0 : index
      %swap3A_639 = arith.constant 0 : index
      %swap3A_640 = vector.load %arg24[%swap3A_638, %swap3A_639] : memref<128x1xf32, #tpu.memory_space<vmem>>, vector<128x1xf32>
      tpu.vector_store %arg24[%swap3A_638, %swap3A_639], %concatenate3A_637 {strides = array<i32>} : memref<128x1xf32, #tpu.memory_space<vmem>>, vector<128x1xf32>,
      %get3A_641 = arith.constant 0 : index
      %get3A_642 = arith.constant 0 : index
      %get3A_643 = vector.load %arg10[%get3A_641, %get3A_642] : memref<8x1xf32, #tpu.memory_space<vmem>>, vector<8x1xf32>
      %get3A_644 = arith.constant 0 : index
      %get3A_645 = arith.constant 0 : index
      %get3A_646 = vector.load %arg10[%get3A_644, %get3A_645] : memref<8x1xf32, #tpu.memory_space<vmem>>, vector<8x1xf32>
      %concatenate3A_647 = tpu.concatenate %get3A_643, %get3A_646 in 0 : vector<8x1xf32>, vector<8x1xf32> -> vector<16x1xf32>
      %swap3A_648 = arith.constant 0 : index
      %swap3A_649 = arith.constant 0 : index
      %swap3A_650 = vector.load %arg25[%swap3A_648, %swap3A_649] : memref<16x1xf32, #tpu.memory_space<vmem>>, vector<16x1xf32>
      tpu.vector_store %arg25[%swap3A_648, %swap3A_649], %concatenate3A_647 {strides = array<i32>} : memref<16x1xf32, #tpu.memory_space<vmem>>, vector<16x1xf32>,
      %get3A_651 = arith.constant 0 : index
      %get3A_652 = arith.constant 0 : index
      %get3A_653 = vector.load %arg12[%get3A_651, %get3A_652] : memref<64x1xf32, #tpu.memory_space<vmem>>, vector<64x1xf32>
      %get3A_654 = arith.constant 0 : index
      %get3A_655 = arith.constant 0 : index
      %get3A_656 = vector.load %arg12[%get3A_654, %get3A_655] : memref<64x1xf32, #tpu.memory_space<vmem>>, vector<64x1xf32>
      %concatenate3A_657 = tpu.concatenate %get3A_653, %get3A_656 in 0 : vector<64x1xf32>, vector<64x1xf32> -> vector<128x1xf32>
      %swap3A_658 = arith.constant 0 : index
      %swap3A_659 = arith.constant 0 : index
      %swap3A_660 = vector.load %arg26[%swap3A_658, %swap3A_659] : memref<128x1xf32, #tpu.memory_space<vmem>>, vector<128x1xf32>
      tpu.vector_store %arg26[%swap3A_658, %swap3A_659], %concatenate3A_657 {strides = array<i32>} : memref<128x1xf32, #tpu.memory_space<vmem>>, vector<128x1xf32>,
      %get3A_661 = arith.constant 0 : index
      %get3A_662 = arith.constant 0 : index
      %get3A_663 = vector.load %arg2[%get3A_661, %get3A_662] : memref<32x32xf32, #tpu.memory_space<vmem>>, vector<32x32xf32>
      %concatenate3A_664 = tpu.concatenate %get3A_663, %get3A_663, %get3A_663, %get3A_663 in 0 : vector<32x32xf32>, vector<32x32xf32>, vector<32x32xf32>, vector<32x32xf32> -> vector<128x32xf32>
      %concatenate3A_665 = tpu.concatenate %concatenate3A_664, %concatenate3A_664, %concatenate3A_664, %concatenate3A_664 in 1 : vector<128x32xf32>, vector<128x32xf32>, vector<128x32xf32>, vector<128x32xf32> -> vector<128x128xf32>
      %iota3A = tpu.iota {dimensions = array<i32: 0>} : vector<128x128xi32>
      %jit3A = arith.constant 32 : i32
      %div3A = vector.broadcast %jit3A : i32 to vector<128x128xi32>
      %div3A_666 = arith.divsi %iota3A, %div3A : vector<128x128xi32>
      %sign3A = arith.constant 0 : i32
      %sign3A_667 = vector.broadcast %sign3A : i32 to vector<128x128xi32>
      %sign3A_668 = arith.cmpi sgt, %iota3A, %sign3A_667 : vector<128x128xi32>
      %sign3A_669 = arith.extui %sign3A_668 : vector<128x128xi1> to vector<128x128xi32>
      %sign3A_670 = arith.constant 0 : i32
      %sign3A_671 = vector.broadcast %sign3A_670 : i32 to vector<128x128xi32>
      %sign3A_672 = arith.cmpi slt, %iota3A, %sign3A_671 : vector<128x128xi32>
      %sign3A_673 = arith.extui %sign3A_672 : vector<128x128xi1> to vector<128x128xi32>
      %sign3A_674 = arith.subi %sign3A_669, %sign3A_673 : vector<128x128xi32>
      %sign3A_675 = arith.constant 0 : i32
      %sign3A_676 = arith.cmpi sgt, %jit3A, %sign3A_675 : i32
      %sign3A_677 = arith.extui %sign3A_676 : i1 to i32
      %sign3A_678 = arith.constant 0 : i32
      %sign3A_679 = arith.cmpi slt, %jit3A, %sign3A_678 : i32
      %sign3A_680 = arith.extui %sign3A_679 : i1 to i32
      %sign3A_681 = arith.subi %sign3A_677, %sign3A_680 : i32
      %ne3A = vector.broadcast %sign3A_681 : i32 to vector<128x128xi32>
      %ne3A_682 = arith.cmpi ne, %sign3A_674, %ne3A : vector<128x128xi32>
      %rem3A = vector.broadcast %jit3A : i32 to vector<128x128xi32>
      %rem3A_683 = arith.remsi %iota3A, %rem3A : vector<128x128xi32>
      %ne3A_684 = arith.constant 0 : i32
      %ne3A_685 = vector.broadcast %ne3A_684 : i32 to vector<128x128xi32>
      %ne3A_686 = arith.cmpi ne, %rem3A_683, %ne3A_685 : vector<128x128xi32>
      %and3A = arith.andi %ne3A_682, %ne3A_686 : vector<128x128xi1>
      %sub3A = arith.constant 1 : i32
      %sub3A_687 = vector.broadcast %sub3A : i32 to vector<128x128xi32>
      %sub3A_688 = arith.subi %div3A_666, %sub3A_687 : vector<128x128xi32>
      %select_n3A = arith.select %and3A, %sub3A_688, %div3A_666 : vector<128x128xi1>, vector<128x128xi32>
      %iota3A_689 = tpu.iota {dimensions = array<i32: 1>} : vector<128x128xi32>
      %jit3A_690 = arith.constant 32 : i32
      %div3A_691 = vector.broadcast %jit3A_690 : i32 to vector<128x128xi32>
      %div3A_692 = arith.divsi %iota3A_689, %div3A_691 : vector<128x128xi32>
      %sign3A_693 = arith.constant 0 : i32
      %sign3A_694 = vector.broadcast %sign3A_693 : i32 to vector<128x128xi32>
      %sign3A_695 = arith.cmpi sgt, %iota3A_689, %sign3A_694 : vector<128x128xi32>
      %sign3A_696 = arith.extui %sign3A_695 : vector<128x128xi1> to vector<128x128xi32>
      %sign3A_697 = arith.constant 0 : i32
      %sign3A_698 = vector.broadcast %sign3A_697 : i32 to vector<128x128xi32>
      %sign3A_699 = arith.cmpi slt, %iota3A_689, %sign3A_698 : vector<128x128xi32>
      %sign3A_700 = arith.extui %sign3A_699 : vector<128x128xi1> to vector<128x128xi32>
      %sign3A_701 = arith.subi %sign3A_696, %sign3A_700 : vector<128x128xi32>
      %sign3A_702 = arith.constant 0 : i32
      %sign3A_703 = arith.cmpi sgt, %jit3A_690, %sign3A_702 : i32
      %sign3A_704 = arith.extui %sign3A_703 : i1 to i32
      %sign3A_705 = arith.constant 0 : i32
      %sign3A_706 = arith.cmpi slt, %jit3A_690, %sign3A_705 : i32
      %sign3A_707 = arith.extui %sign3A_706 : i1 to i32
      %sign3A_708 = arith.subi %sign3A_704, %sign3A_707 : i32
      %ne3A_709 = vector.broadcast %sign3A_708 : i32 to vector<128x128xi32>
      %ne3A_710 = arith.cmpi ne, %sign3A_701, %ne3A_709 : vector<128x128xi32>
      %rem3A_711 = vector.broadcast %jit3A_690 : i32 to vector<128x128xi32>
      %rem3A_712 = arith.remsi %iota3A_689, %rem3A_711 : vector<128x128xi32>
      %ne3A_713 = arith.constant 0 : i32
      %ne3A_714 = vector.broadcast %ne3A_713 : i32 to vector<128x128xi32>
      %ne3A_715 = arith.cmpi ne, %rem3A_712, %ne3A_714 : vector<128x128xi32>
      %and3A_716 = arith.andi %ne3A_710, %ne3A_715 : vector<128x128xi1>
      %sub3A_717 = arith.constant 1 : i32
      %sub3A_718 = vector.broadcast %sub3A_717 : i32 to vector<128x128xi32>
      %sub3A_719 = arith.subi %div3A_692, %sub3A_718 : vector<128x128xi32>
      %select_n3A_720 = arith.select %and3A_716, %sub3A_719, %div3A_692 : vector<128x128xi1>, vector<128x128xi32>
      %eq3A_721 = arith.cmpi eq, %select_n3A, %select_n3A_720 : vector<128x128xi32>
      %jit3A_722 = arith.constant 0.000000e+00 : f32
      %broadcast_in_dim3A_723 = vector.broadcast %jit3A_722 : f32 to vector<128x128xf32>
      %select_n3A_724 = arith.select %eq3A_721, %concatenate3A_665, %broadcast_in_dim3A_723 : vector<128x128xi1>, vector<128x128xf32>
      %swap3A_725 = arith.constant 0 : index
      %swap3A_726 = arith.constant 0 : index
      %swap3A_727 = vector.load %arg22[%swap3A_725, %swap3A_726] : memref<128x128xf32, #tpu.memory_space<vmem>>, vector<128x128xf32>
      tpu.vector_store %arg22[%swap3A_725, %swap3A_726], %select_n3A_724 {strides = array<i32>} : memref<128x128xf32, #tpu.memory_space<vmem>>, vector<128x128xf32>,
      %get3A_728 = arith.constant 0 : index
      %get3A_729 = arith.constant 0 : index
      %get3A_730 = vector.load %arg15[%get3A_728, %get3A_729] : memref<32x1xf32, #tpu.memory_space<vmem>>, vector<32x1xf32>
      %concatenate3A_731 = tpu.concatenate %get3A_730, %get3A_730, %get3A_730, %get3A_730, %get3A_730, %get3A_730, %get3A_730, %get3A_730, %get3A_730, %get3A_730, %get3A_730, %get3A_730, %get3A_730, %get3A_730, %get3A_730, %get3A_730, %get3A_730, %get3A_730, %get3A_730, %get3A_730, %get3A_730, %get3A_730, %get3A_730, %get3A_730, %get3A_730, %get3A_730, %get3A_730, %get3A_730, %get3A_730, %get3A_730, %get3A_730, %get3A_730, %get3A_730, %get3A_730, %get3A_730, %get3A_730, %get3A_730, %get3A_730, %get3A_730, %get3A_730, %get3A_730, %get3A_730, %get3A_730, %get3A_730, %get3A_730, %get3A_730, %get3A_730, %get3A_730, %get3A_730, %get3A_730, %get3A_730, %get3A_730, %get3A_730, %get3A_730, %get3A_730, %get3A_730, %get3A_730, %get3A_730, %get3A_730, %get3A_730, %get3A_730, %get3A_730, %get3A_730, %get3A_730, %get3A_730, %get3A_730, %get3A_730, %get3A_730, %get3A_730, %get3A_730, %get3A_730, %get3A_730, %get3A_730, %get3A_730, %get3A_730, %get3A_730, %get3A_730, %get3A_730, %get3A_730, %get3A_730, %get3A_730, %get3A_730, %get3A_730, %get3A_730, %get3A_730, %get3A_730, %get3A_730, %get3A_730, %get3A_730, %get3A_730, %get3A_730, %get3A_730, %get3A_730, %get3A_730, %get3A_730, %get3A_730, %get3A_730, %get3A_730, %get3A_730, %get3A_730, %get3A_730, %get3A_730, %get3A_730, %get3A_730, %get3A_730, %get3A_730, %get3A_730, %get3A_730, %get3A_730, %get3A_730, %get3A_730, %get3A_730, %get3A_730, %get3A_730, %get3A_730, %get3A_730, %get3A_730, %get3A_730, %get3A_730, %get3A_730, %get3A_730, %get3A_730, %get3A_730, %get3A_730, %get3A_730, %get3A_730, %get3A_730, %get3A_730 in 0 : vector<32x1xf32>, vector<32x1xf32>, vector<32x1xf32>, vector<32x1xf32>, vector<32x1xf32>, vector<32x1xf32>, vector<32x1xf32>, vector<32x1xf32>, vector<32x1xf32>, vector<32x1xf32>, vector<32x1xf32>, vector<32x1xf32>, vector<32x1xf32>, vector<32x1xf32>, vector<32x1xf32>, vector<32x1xf32>, vector<32x1xf32>, vector<32x1xf32>, vector<32x1xf32>, vector<32x1xf32>, vector<32x1xf32>, vector<32x1xf32>, vector<32x1xf32>, vector<32x1xf32>, vector<32x1xf32>, vector<32x1xf32>, vector<32x1xf32>, vector<32x1xf32>, vector<32x1xf32>, vector<32x1xf32>, vector<32x1xf32>, vector<32x1xf32>, vector<32x1xf32>, vector<32x1xf32>, vector<32x1xf32>, vector<32x1xf32>, vector<32x1xf32>, vector<32x1xf32>, vector<32x1xf32>, vector<32x1xf32>, vector<32x1xf32>, vector<32x1xf32>, vector<32x1xf32>, vector<32x1xf32>, vector<32x1xf32>, vector<32x1xf32>, vector<32x1xf32>, vector<32x1xf32>, vector<32x1xf32>, vector<32x1xf32>, vector<32x1xf32>, vector<32x1xf32>, vector<32x1xf32>, vector<32x1xf32>, vector<32x1xf32>, vector<32x1xf32>, vector<32x1xf32>, vector<32x1xf32>, vector<32x1xf32>, vector<32x1xf32>, vector<32x1xf32>, vector<32x1xf32>, vector<32x1xf32>, vector<32x1xf32>, vector<32x1xf32>, vector<32x1xf32>, vector<32x1xf32>, vector<32x1xf32>, vector<32x1xf32>, vector<32x1xf32>, vector<32x1xf32>, vector<32x1xf32>, vector<32x1xf32>, vector<32x1xf32>, vector<32x1xf32>, vector<32x1xf32>, vector<32x1xf32>, vector<32x1xf32>, vector<32x1xf32>, vector<32x1xf32>, vector<32x1xf32>, vector<32x1xf32>, vector<32x1xf32>, vector<32x1xf32>, vector<32x1xf32>, vector<32x1xf32>, vector<32x1xf32>, vector<32x1xf32>, vector<32x1xf32>, vector<32x1xf32>, vector<32x1xf32>, vector<32x1xf32>, vector<32x1xf32>, vector<32x1xf32>, vector<32x1xf32>, vector<32x1xf32>, vector<32x1xf32>, vector<32x1xf32>, vector<32x1xf32>, vector<32x1xf32>, vector<32x1xf32>, vector<32x1xf32>, vector<32x1xf32>, vector<32x1xf32>, vector<32x1xf32>, vector<32x1xf32>, vector<32x1xf32>, vector<32x1xf32>, vector<32x1xf32>, vector<32x1xf32>, vector<32x1xf32>, vector<32x1xf32>, vector<32x1xf32>, vector<32x1xf32>, vector<32x1xf32>, vector<32x1xf32>, vector<32x1xf32>, vector<32x1xf32>, vector<32x1xf32>, vector<32x1xf32>, vector<32x1xf32>, vector<32x1xf32>, vector<32x1xf32>, vector<32x1xf32>, vector<32x1xf32>, vector<32x1xf32>, vector<32x1xf32>, vector<32x1xf32> -> vector<4096x1xf32>
      %iota3A_732 = tpu.iota {dimensions = array<i32: 0>} : vector<4096x128xi32>
      %jit3A_733 = arith.constant 32 : i32
      %div3A_734 = vector.broadcast %jit3A_733 : i32 to vector<4096x128xi32>
      %div3A_735 = arith.divsi %iota3A_732, %div3A_734 : vector<4096x128xi32>
      %sign3A_736 = arith.constant 0 : i32
      %sign3A_737 = vector.broadcast %sign3A_736 : i32 to vector<4096x128xi32>
      %sign3A_738 = arith.cmpi sgt, %iota3A_732, %sign3A_737 : vector<4096x128xi32>
      %sign3A_739 = arith.extui %sign3A_738 : vector<4096x128xi1> to vector<4096x128xi32>
      %sign3A_740 = arith.constant 0 : i32
      %sign3A_741 = vector.broadcast %sign3A_740 : i32 to vector<4096x128xi32>
      %sign3A_742 = arith.cmpi slt, %iota3A_732, %sign3A_741 : vector<4096x128xi32>
      %sign3A_743 = arith.extui %sign3A_742 : vector<4096x128xi1> to vector<4096x128xi32>
      %sign3A_744 = arith.subi %sign3A_739, %sign3A_743 : vector<4096x128xi32>
      %sign3A_745 = arith.constant 0 : i32
      %sign3A_746 = arith.cmpi sgt, %jit3A_733, %sign3A_745 : i32
      %sign3A_747 = arith.extui %sign3A_746 : i1 to i32
      %sign3A_748 = arith.constant 0 : i32
      %sign3A_749 = arith.cmpi slt, %jit3A_733, %sign3A_748 : i32
      %sign3A_750 = arith.extui %sign3A_749 : i1 to i32
      %sign3A_751 = arith.subi %sign3A_747, %sign3A_750 : i32
      %ne3A_752 = vector.broadcast %sign3A_751 : i32 to vector<4096x128xi32>
      %ne3A_753 = arith.cmpi ne, %sign3A_744, %ne3A_752 : vector<4096x128xi32>
      %rem3A_754 = vector.broadcast %jit3A_733 : i32 to vector<4096x128xi32>
      %rem3A_755 = arith.remsi %iota3A_732, %rem3A_754 : vector<4096x128xi32>
      %ne3A_756 = arith.constant 0 : i32
      %ne3A_757 = vector.broadcast %ne3A_756 : i32 to vector<4096x128xi32>
      %ne3A_758 = arith.cmpi ne, %rem3A_755, %ne3A_757 : vector<4096x128xi32>
      %and3A_759 = arith.andi %ne3A_753, %ne3A_758 : vector<4096x128xi1>
      %sub3A_760 = arith.constant 1 : i32
      %sub3A_761 = vector.broadcast %sub3A_760 : i32 to vector<4096x128xi32>
      %sub3A_762 = arith.subi %div3A_735, %sub3A_761 : vector<4096x128xi32>
      %select_n3A_763 = arith.select %and3A_759, %sub3A_762, %div3A_735 : vector<4096x128xi1>, vector<4096x128xi32>
      %iota3A_764 = tpu.iota {dimensions = array<i32: 1>} : vector<4096x128xi32>
      %eq3A_765 = arith.cmpi eq, %select_n3A_763, %iota3A_764 : vector<4096x128xi32>
      %jit3A_766 = arith.constant 0.000000e+00 : f32
      %broadcast_in_dim3A_767 = vector.shape_cast %concatenate3A_731 : vector<4096x1xf32> to vector<4096x1xf32>
      %broadcast_in_dim3A_768 = vector.broadcast %broadcast_in_dim3A_767 : vector<4096x1xf32> to vector<4096x128xf32>
      %broadcast_in_dim3A_769 = vector.broadcast %jit3A_766 : f32 to vector<4096x128xf32>
      %select_n3A_770 = arith.select %eq3A_765, %broadcast_in_dim3A_768, %broadcast_in_dim3A_769 : vector<4096x128xi1>, vector<4096x128xf32>
      %swap3A_771 = arith.constant 0 : index
      %swap3A_772 = arith.constant 0 : index
      %swap3A_773 = vector.load %arg27[%swap3A_771, %swap3A_772] : memref<4096x128xf32, #tpu.memory_space<vmem>>, vector<4096x128xf32>
      tpu.vector_store %arg27[%swap3A_771, %swap3A_772], %select_n3A_770 {strides = array<i32>} : memref<4096x128xf32, #tpu.memory_space<vmem>>, vector<4096x128xf32>,
    } else {
    }
    %get3A = arith.constant 0 : index
    %get3A_2 = arith.constant 0 : index
    %get3A_3 = vector.load %arg22[%get3A, %get3A_2] : memref<128x128xf32, #tpu.memory_space<vmem>>, vector<128x128xf32>
    %get3A_4 = arith.constant 0 : index
    %get3A_5 = arith.constant 0 : index
    %get3A_6 = vector.load %arg1[%get3A_4, %get3A_5] : memref<4096x256xf32, #tpu.memory_space<vmem>>, vector<4096x256xf32>
    %get3A_7 = arith.constant 0 : index
    %get3A_8 = arith.constant 0 : index
    %get3A_9 = vector.load %arg18[%get3A_7, %get3A_8] : memref<256x32xf32, #tpu.memory_space<vmem>>, vector<256x32xf32>
    %dot_general3A = arith.constant dense<0.000000e+00> : vector<32x4096xf32>
    %dot_general3A_10 = tpu.matmul %get3A_9, %get3A_6, %dot_general3A {dimension_numbers = #tpu.dot_dimension_numbers<[0], [1], [1], [0], [0, 1, 1, 0], [], []>, transpose_lhs_hint = false} : vector<256x32xf32>, vector<4096x256xf32>, vector<32x4096xf32> -> vector<32x4096xf32>
    %get3A_11 = arith.constant 0 : index
    %get3A_12 = arith.constant 0 : index
    %get3A_13 = vector.load %arg23[%get3A_11, %get3A_12] : memref<32x1xf32, #tpu.memory_space<vmem>>, vector<32x1xf32>
    %add3A = vector.broadcast %get3A_13 : vector<32x1xf32> to vector<32x4096xf32>
    %add3A_14 = arith.addf %dot_general3A_10, %add3A : vector<32x4096xf32>
    %max3A = arith.constant 0.000000e+00 : f32
    %max3A_15 = vector.broadcast %max3A : f32 to vector<32x4096xf32>
    %max3A_16 = arith.maximumf %add3A_14, %max3A_15 : vector<32x4096xf32>
    %get3A_17 = arith.constant 0 : index
    %get3A_18 = arith.constant 0 : index
    %get3A_19 = vector.load %arg19[%get3A_17, %get3A_18] : memref<128x32xf32, #tpu.memory_space<vmem>>, vector<128x32xf32>
    %slice3A = vector.extract_strided_slice %max3A_16 {offsets = [0, 0], sizes = [32, 128], strides = [1, 1]} : vector<32x4096xf32> to vector<32x128xf32>
    %dot_general3A_20 = arith.constant dense<0.000000e+00> : vector<32x128xf32>
    %dot_general3A_21 = tpu.matmul %slice3A, %get3A_3, %dot_general3A_20 {dimension_numbers = #tpu.dot_dimension_numbers<[1], [0], [0], [1], [0, 0, 1, 1], [], []>, transpose_lhs_hint = false} : vector<32x128xf32>, vector<128x128xf32>, vector<32x128xf32> -> vector<32x128xf32>
    %slice3A_22 = vector.extract_strided_slice %max3A_16 {offsets = [0, 128], sizes = [32, 128], strides = [1, 1]} : vector<32x4096xf32> to vector<32x128xf32>
    %dot_general3A_23 = arith.constant dense<0.000000e+00> : vector<32x128xf32>
    %dot_general3A_24 = tpu.matmul %slice3A_22, %get3A_3, %dot_general3A_23 {dimension_numbers = #tpu.dot_dimension_numbers<[1], [0], [0], [1], [0, 0, 1, 1], [], []>, transpose_lhs_hint = false} : vector<32x128xf32>, vector<128x128xf32>, vector<32x128xf32> -> vector<32x128xf32>
    %slice3A_25 = vector.extract_strided_slice %max3A_16 {offsets = [0, 256], sizes = [32, 128], strides = [1, 1]} : vector<32x4096xf32> to vector<32x128xf32>
    %dot_general3A_26 = arith.constant dense<0.000000e+00> : vector<32x128xf32>
    %dot_general3A_27 = tpu.matmul %slice3A_25, %get3A_3, %dot_general3A_26 {dimension_numbers = #tpu.dot_dimension_numbers<[1], [0], [0], [1], [0, 0, 1, 1], [], []>, transpose_lhs_hint = false} : vector<32x128xf32>, vector<128x128xf32>, vector<32x128xf32> -> vector<32x128xf32>
    %slice3A_28 = vector.extract_strided_slice %max3A_16 {offsets = [0, 384], sizes = [32, 128], strides = [1, 1]} : vector<32x4096xf32> to vector<32x128xf32>
    %dot_general3A_29 = arith.constant dense<0.000000e+00> : vector<32x128xf32>
    %dot_general3A_30 = tpu.matmul %slice3A_28, %get3A_3, %dot_general3A_29 {dimension_numbers = #tpu.dot_dimension_numbers<[1], [0], [0], [1], [0, 0, 1, 1], [], []>, transpose_lhs_hint = false} : vector<32x128xf32>, vector<128x128xf32>, vector<32x128xf32> -> vector<32x128xf32>
    %slice3A_31 = vector.extract_strided_slice %max3A_16 {offsets = [0, 512], sizes = [32, 128], strides = [1, 1]} : vector<32x4096xf32> to vector<32x128xf32>
    %dot_general3A_32 = arith.constant dense<0.000000e+00> : vector<32x128xf32>
    %dot_general3A_33 = tpu.matmul %slice3A_31, %get3A_3, %dot_general3A_32 {dimension_numbers = #tpu.dot_dimension_numbers<[1], [0], [0], [1], [0, 0, 1, 1], [], []>, transpose_lhs_hint = false} : vector<32x128xf32>, vector<128x128xf32>, vector<32x128xf32> -> vector<32x128xf32>
    %slice3A_34 = vector.extract_strided_slice %max3A_16 {offsets = [0, 640], sizes = [32, 128], strides = [1, 1]} : vector<32x4096xf32> to vector<32x128xf32>
    %dot_general3A_35 = arith.constant dense<0.000000e+00> : vector<32x128xf32>
    %dot_general3A_36 = tpu.matmul %slice3A_34, %get3A_3, %dot_general3A_35 {dimension_numbers = #tpu.dot_dimension_numbers<[1], [0], [0], [1], [0, 0, 1, 1], [], []>, transpose_lhs_hint = false} : vector<32x128xf32>, vector<128x128xf32>, vector<32x128xf32> -> vector<32x128xf32>
    %slice3A_37 = vector.extract_strided_slice %max3A_16 {offsets = [0, 768], sizes = [32, 128], strides = [1, 1]} : vector<32x4096xf32> to vector<32x128xf32>
    %dot_general3A_38 = arith.constant dense<0.000000e+00> : vector<32x128xf32>
    %dot_general3A_39 = tpu.matmul %slice3A_37, %get3A_3, %dot_general3A_38 {dimension_numbers = #tpu.dot_dimension_numbers<[1], [0], [0], [1], [0, 0, 1, 1], [], []>, transpose_lhs_hint = false} : vector<32x128xf32>, vector<128x128xf32>, vector<32x128xf32> -> vector<32x128xf32>
    %slice3A_40 = vector.extract_strided_slice %max3A_16 {offsets = [0, 896], sizes = [32, 128], strides = [1, 1]} : vector<32x4096xf32> to vector<32x128xf32>
    %dot_general3A_41 = arith.constant dense<0.000000e+00> : vector<32x128xf32>
    %dot_general3A_42 = tpu.matmul %slice3A_40, %get3A_3, %dot_general3A_41 {dimension_numbers = #tpu.dot_dimension_numbers<[1], [0], [0], [1], [0, 0, 1, 1], [], []>, transpose_lhs_hint = false} : vector<32x128xf32>, vector<128x128xf32>, vector<32x128xf32> -> vector<32x128xf32>
    %slice3A_43 = vector.extract_strided_slice %max3A_16 {offsets = [0, 1024], sizes = [32, 128], strides = [1, 1]} : vector<32x4096xf32> to vector<32x128xf32>
    %dot_general3A_44 = arith.constant dense<0.000000e+00> : vector<32x128xf32>
    %dot_general3A_45 = tpu.matmul %slice3A_43, %get3A_3, %dot_general3A_44 {dimension_numbers = #tpu.dot_dimension_numbers<[1], [0], [0], [1], [0, 0, 1, 1], [], []>, transpose_lhs_hint = false} : vector<32x128xf32>, vector<128x128xf32>, vector<32x128xf32> -> vector<32x128xf32>
    %slice3A_46 = vector.extract_strided_slice %max3A_16 {offsets = [0, 1152], sizes = [32, 128], strides = [1, 1]} : vector<32x4096xf32> to vector<32x128xf32>
    %dot_general3A_47 = arith.constant dense<0.000000e+00> : vector<32x128xf32>
    %dot_general3A_48 = tpu.matmul %slice3A_46, %get3A_3, %dot_general3A_47 {dimension_numbers = #tpu.dot_dimension_numbers<[1], [0], [0], [1], [0, 0, 1, 1], [], []>, transpose_lhs_hint = false} : vector<32x128xf32>, vector<128x128xf32>, vector<32x128xf32> -> vector<32x128xf32>
    %slice3A_49 = vector.extract_strided_slice %max3A_16 {offsets = [0, 1280], sizes = [32, 128], strides = [1, 1]} : vector<32x4096xf32> to vector<32x128xf32>
    %dot_general3A_50 = arith.constant dense<0.000000e+00> : vector<32x128xf32>
    %dot_general3A_51 = tpu.matmul %slice3A_49, %get3A_3, %dot_general3A_50 {dimension_numbers = #tpu.dot_dimension_numbers<[1], [0], [0], [1], [0, 0, 1, 1], [], []>, transpose_lhs_hint = false} : vector<32x128xf32>, vector<128x128xf32>, vector<32x128xf32> -> vector<32x128xf32>
    %slice3A_52 = vector.extract_strided_slice %max3A_16 {offsets = [0, 1408], sizes = [32, 128], strides = [1, 1]} : vector<32x4096xf32> to vector<32x128xf32>
    %dot_general3A_53 = arith.constant dense<0.000000e+00> : vector<32x128xf32>
    %dot_general3A_54 = tpu.matmul %slice3A_52, %get3A_3, %dot_general3A_53 {dimension_numbers = #tpu.dot_dimension_numbers<[1], [0], [0], [1], [0, 0, 1, 1], [], []>, transpose_lhs_hint = false} : vector<32x128xf32>, vector<128x128xf32>, vector<32x128xf32> -> vector<32x128xf32>
    %slice3A_55 = vector.extract_strided_slice %max3A_16 {offsets = [0, 1536], sizes = [32, 128], strides = [1, 1]} : vector<32x4096xf32> to vector<32x128xf32>
    %dot_general3A_56 = arith.constant dense<0.000000e+00> : vector<32x128xf32>
    %dot_general3A_57 = tpu.matmul %slice3A_55, %get3A_3, %dot_general3A_56 {dimension_numbers = #tpu.dot_dimension_numbers<[1], [0], [0], [1], [0, 0, 1, 1], [], []>, transpose_lhs_hint = false} : vector<32x128xf32>, vector<128x128xf32>, vector<32x128xf32> -> vector<32x128xf32>
    %slice3A_58 = vector.extract_strided_slice %max3A_16 {offsets = [0, 1664], sizes = [32, 128], strides = [1, 1]} : vector<32x4096xf32> to vector<32x128xf32>
    %dot_general3A_59 = arith.constant dense<0.000000e+00> : vector<32x128xf32>
    %dot_general3A_60 = tpu.matmul %slice3A_58, %get3A_3, %dot_general3A_59 {dimension_numbers = #tpu.dot_dimension_numbers<[1], [0], [0], [1], [0, 0, 1, 1], [], []>, transpose_lhs_hint = false} : vector<32x128xf32>, vector<128x128xf32>, vector<32x128xf32> -> vector<32x128xf32>
    %slice3A_61 = vector.extract_strided_slice %max3A_16 {offsets = [0, 1792], sizes = [32, 128], strides = [1, 1]} : vector<32x4096xf32> to vector<32x128xf32>
    %dot_general3A_62 = arith.constant dense<0.000000e+00> : vector<32x128xf32>
    %dot_general3A_63 = tpu.matmul %slice3A_61, %get3A_3, %dot_general3A_62 {dimension_numbers = #tpu.dot_dimension_numbers<[1], [0], [0], [1], [0, 0, 1, 1], [], []>, transpose_lhs_hint = false} : vector<32x128xf32>, vector<128x128xf32>, vector<32x128xf32> -> vector<32x128xf32>
    %slice3A_64 = vector.extract_strided_slice %max3A_16 {offsets = [0, 1920], sizes = [32, 128], strides = [1, 1]} : vector<32x4096xf32> to vector<32x128xf32>
    %dot_general3A_65 = arith.constant dense<0.000000e+00> : vector<32x128xf32>
    %dot_general3A_66 = tpu.matmul %slice3A_64, %get3A_3, %dot_general3A_65 {dimension_numbers = #tpu.dot_dimension_numbers<[1], [0], [0], [1], [0, 0, 1, 1], [], []>, transpose_lhs_hint = false} : vector<32x128xf32>, vector<128x128xf32>, vector<32x128xf32> -> vector<32x128xf32>
    %slice3A_67 = vector.extract_strided_slice %max3A_16 {offsets = [0, 2048], sizes = [32, 128], strides = [1, 1]} : vector<32x4096xf32> to vector<32x128xf32>
    %dot_general3A_68 = arith.constant dense<0.000000e+00> : vector<32x128xf32>
    %dot_general3A_69 = tpu.matmul %slice3A_67, %get3A_3, %dot_general3A_68 {dimension_numbers = #tpu.dot_dimension_numbers<[1], [0], [0], [1], [0, 0, 1, 1], [], []>, transpose_lhs_hint = false} : vector<32x128xf32>, vector<128x128xf32>, vector<32x128xf32> -> vector<32x128xf32>
    %slice3A_70 = vector.extract_strided_slice %max3A_16 {offsets = [0, 2176], sizes = [32, 128], strides = [1, 1]} : vector<32x4096xf32> to vector<32x128xf32>
    %dot_general3A_71 = arith.constant dense<0.000000e+00> : vector<32x128xf32>
    %dot_general3A_72 = tpu.matmul %slice3A_70, %get3A_3, %dot_general3A_71 {dimension_numbers = #tpu.dot_dimension_numbers<[1], [0], [0], [1], [0, 0, 1, 1], [], []>, transpose_lhs_hint = false} : vector<32x128xf32>, vector<128x128xf32>, vector<32x128xf32> -> vector<32x128xf32>
    %slice3A_73 = vector.extract_strided_slice %max3A_16 {offsets = [0, 2304], sizes = [32, 128], strides = [1, 1]} : vector<32x4096xf32> to vector<32x128xf32>
    %dot_general3A_74 = arith.constant dense<0.000000e+00> : vector<32x128xf32>
    %dot_general3A_75 = tpu.matmul %slice3A_73, %get3A_3, %dot_general3A_74 {dimension_numbers = #tpu.dot_dimension_numbers<[1], [0], [0], [1], [0, 0, 1, 1], [], []>, transpose_lhs_hint = false} : vector<32x128xf32>, vector<128x128xf32>, vector<32x128xf32> -> vector<32x128xf32>
    %slice3A_76 = vector.extract_strided_slice %max3A_16 {offsets = [0, 2432], sizes = [32, 128], strides = [1, 1]} : vector<32x4096xf32> to vector<32x128xf32>
    %dot_general3A_77 = arith.constant dense<0.000000e+00> : vector<32x128xf32>
    %dot_general3A_78 = tpu.matmul %slice3A_76, %get3A_3, %dot_general3A_77 {dimension_numbers = #tpu.dot_dimension_numbers<[1], [0], [0], [1], [0, 0, 1, 1], [], []>, transpose_lhs_hint = false} : vector<32x128xf32>, vector<128x128xf32>, vector<32x128xf32> -> vector<32x128xf32>
    %slice3A_79 = vector.extract_strided_slice %max3A_16 {offsets = [0, 2560], sizes = [32, 128], strides = [1, 1]} : vector<32x4096xf32> to vector<32x128xf32>
    %dot_general3A_80 = arith.constant dense<0.000000e+00> : vector<32x128xf32>
    %dot_general3A_81 = tpu.matmul %slice3A_79, %get3A_3, %dot_general3A_80 {dimension_numbers = #tpu.dot_dimension_numbers<[1], [0], [0], [1], [0, 0, 1, 1], [], []>, transpose_lhs_hint = false} : vector<32x128xf32>, vector<128x128xf32>, vector<32x128xf32> -> vector<32x128xf32>
    %slice3A_82 = vector.extract_strided_slice %max3A_16 {offsets = [0, 2688], sizes = [32, 128], strides = [1, 1]} : vector<32x4096xf32> to vector<32x128xf32>
    %dot_general3A_83 = arith.constant dense<0.000000e+00> : vector<32x128xf32>
    %dot_general3A_84 = tpu.matmul %slice3A_82, %get3A_3, %dot_general3A_83 {dimension_numbers = #tpu.dot_dimension_numbers<[1], [0], [0], [1], [0, 0, 1, 1], [], []>, transpose_lhs_hint = false} : vector<32x128xf32>, vector<128x128xf32>, vector<32x128xf32> -> vector<32x128xf32>
    %slice3A_85 = vector.extract_strided_slice %max3A_16 {offsets = [0, 2816], sizes = [32, 128], strides = [1, 1]} : vector<32x4096xf32> to vector<32x128xf32>
    %dot_general3A_86 = arith.constant dense<0.000000e+00> : vector<32x128xf32>
    %dot_general3A_87 = tpu.matmul %slice3A_85, %get3A_3, %dot_general3A_86 {dimension_numbers = #tpu.dot_dimension_numbers<[1], [0], [0], [1], [0, 0, 1, 1], [], []>, transpose_lhs_hint = false} : vector<32x128xf32>, vector<128x128xf32>, vector<32x128xf32> -> vector<32x128xf32>
    %slice3A_88 = vector.extract_strided_slice %max3A_16 {offsets = [0, 2944], sizes = [32, 128], strides = [1, 1]} : vector<32x4096xf32> to vector<32x128xf32>
    %dot_general3A_89 = arith.constant dense<0.000000e+00> : vector<32x128xf32>
    %dot_general3A_90 = tpu.matmul %slice3A_88, %get3A_3, %dot_general3A_89 {dimension_numbers = #tpu.dot_dimension_numbers<[1], [0], [0], [1], [0, 0, 1, 1], [], []>, transpose_lhs_hint = false} : vector<32x128xf32>, vector<128x128xf32>, vector<32x128xf32> -> vector<32x128xf32>
    %slice3A_91 = vector.extract_strided_slice %max3A_16 {offsets = [0, 3072], sizes = [32, 128], strides = [1, 1]} : vector<32x4096xf32> to vector<32x128xf32>
    %dot_general3A_92 = arith.constant dense<0.000000e+00> : vector<32x128xf32>
    %dot_general3A_93 = tpu.matmul %slice3A_91, %get3A_3, %dot_general3A_92 {dimension_numbers = #tpu.dot_dimension_numbers<[1], [0], [0], [1], [0, 0, 1, 1], [], []>, transpose_lhs_hint = false} : vector<32x128xf32>, vector<128x128xf32>, vector<32x128xf32> -> vector<32x128xf32>
    %slice3A_94 = vector.extract_strided_slice %max3A_16 {offsets = [0, 3200], sizes = [32, 128], strides = [1, 1]} : vector<32x4096xf32> to vector<32x128xf32>
    %dot_general3A_95 = arith.constant dense<0.000000e+00> : vector<32x128xf32>
    %dot_general3A_96 = tpu.matmul %slice3A_94, %get3A_3, %dot_general3A_95 {dimension_numbers = #tpu.dot_dimension_numbers<[1], [0], [0], [1], [0, 0, 1, 1], [], []>, transpose_lhs_hint = false} : vector<32x128xf32>, vector<128x128xf32>, vector<32x128xf32> -> vector<32x128xf32>
    %slice3A_97 = vector.extract_strided_slice %max3A_16 {offsets = [0, 3328], sizes = [32, 128], strides = [1, 1]} : vector<32x4096xf32> to vector<32x128xf32>
    %dot_general3A_98 = arith.constant dense<0.000000e+00> : vector<32x128xf32>
    %dot_general3A_99 = tpu.matmul %slice3A_97, %get3A_3, %dot_general3A_98 {dimension_numbers = #tpu.dot_dimension_numbers<[1], [0], [0], [1], [0, 0, 1, 1], [], []>, transpose_lhs_hint = false} : vector<32x128xf32>, vector<128x128xf32>, vector<32x128xf32> -> vector<32x128xf32>
    %slice3A_100 = vector.extract_strided_slice %max3A_16 {offsets = [0, 3456], sizes = [32, 128], strides = [1, 1]} : vector<32x4096xf32> to vector<32x128xf32>
    %dot_general3A_101 = arith.constant dense<0.000000e+00> : vector<32x128xf32>
    %dot_general3A_102 = tpu.matmul %slice3A_100, %get3A_3, %dot_general3A_101 {dimension_numbers = #tpu.dot_dimension_numbers<[1], [0], [0], [1], [0, 0, 1, 1], [], []>, transpose_lhs_hint = false} : vector<32x128xf32>, vector<128x128xf32>, vector<32x128xf32> -> vector<32x128xf32>
    %slice3A_103 = vector.extract_strided_slice %max3A_16 {offsets = [0, 3584], sizes = [32, 128], strides = [1, 1]} : vector<32x4096xf32> to vector<32x128xf32>
    %dot_general3A_104 = arith.constant dense<0.000000e+00> : vector<32x128xf32>
    %dot_general3A_105 = tpu.matmul %slice3A_103, %get3A_3, %dot_general3A_104 {dimension_numbers = #tpu.dot_dimension_numbers<[1], [0], [0], [1], [0, 0, 1, 1], [], []>, transpose_lhs_hint = false} : vector<32x128xf32>, vector<128x128xf32>, vector<32x128xf32> -> vector<32x128xf32>
    %slice3A_106 = vector.extract_strided_slice %max3A_16 {offsets = [0, 3712], sizes = [32, 128], strides = [1, 1]} : vector<32x4096xf32> to vector<32x128xf32>
    %dot_general3A_107 = arith.constant dense<0.000000e+00> : vector<32x128xf32>
    %dot_general3A_108 = tpu.matmul %slice3A_106, %get3A_3, %dot_general3A_107 {dimension_numbers = #tpu.dot_dimension_numbers<[1], [0], [0], [1], [0, 0, 1, 1], [], []>, transpose_lhs_hint = false} : vector<32x128xf32>, vector<128x128xf32>, vector<32x128xf32> -> vector<32x128xf32>
    %slice3A_109 = vector.extract_strided_slice %max3A_16 {offsets = [0, 3840], sizes = [32, 128], strides = [1, 1]} : vector<32x4096xf32> to vector<32x128xf32>
    %dot_general3A_110 = arith.constant dense<0.000000e+00> : vector<32x128xf32>
    %dot_general3A_111 = tpu.matmul %slice3A_109, %get3A_3, %dot_general3A_110 {dimension_numbers = #tpu.dot_dimension_numbers<[1], [0], [0], [1], [0, 0, 1, 1], [], []>, transpose_lhs_hint = false} : vector<32x128xf32>, vector<128x128xf32>, vector<32x128xf32> -> vector<32x128xf32>
    %slice3A_112 = vector.extract_strided_slice %max3A_16 {offsets = [0, 3968], sizes = [32, 128], strides = [1, 1]} : vector<32x4096xf32> to vector<32x128xf32>
    %dot_general3A_113 = arith.constant dense<0.000000e+00> : vector<32x128xf32>
    %dot_general3A_114 = tpu.matmul %slice3A_112, %get3A_3, %dot_general3A_113 {dimension_numbers = #tpu.dot_dimension_numbers<[1], [0], [0], [1], [0, 0, 1, 1], [], []>, transpose_lhs_hint = false} : vector<32x128xf32>, vector<128x128xf32>, vector<32x128xf32> -> vector<32x128xf32>
    %concatenate3A = tpu.concatenate %dot_general3A_21, %dot_general3A_24, %dot_general3A_27, %dot_general3A_30, %dot_general3A_33, %dot_general3A_36, %dot_general3A_39, %dot_general3A_42, %dot_general3A_45, %dot_general3A_48, %dot_general3A_51, %dot_general3A_54, %dot_general3A_57, %dot_general3A_60, %dot_general3A_63, %dot_general3A_66, %dot_general3A_69, %dot_general3A_72, %dot_general3A_75, %dot_general3A_78, %dot_general3A_81, %dot_general3A_84, %dot_general3A_87, %dot_general3A_90, %dot_general3A_93, %dot_general3A_96, %dot_general3A_99, %dot_general3A_102, %dot_general3A_105, %dot_general3A_108, %dot_general3A_111, %dot_general3A_114 in 1 : vector<32x128xf32>, vector<32x128xf32>, vector<32x128xf32>, vector<32x128xf32>, vector<32x128xf32>, vector<32x128xf32>, vector<32x128xf32>, vector<32x128xf32>, vector<32x128xf32>, vector<32x128xf32>, vector<32x128xf32>, vector<32x128xf32>, vector<32x128xf32>, vector<32x128xf32>, vector<32x128xf32>, vector<32x128xf32>, vector<32x128xf32>, vector<32x128xf32>, vector<32x128xf32>, vector<32x128xf32>, vector<32x128xf32>, vector<32x128xf32>, vector<32x128xf32>, vector<32x128xf32>, vector<32x128xf32>, vector<32x128xf32>, vector<32x128xf32>, vector<32x128xf32>, vector<32x128xf32>, vector<32x128xf32>, vector<32x128xf32>, vector<32x128xf32> -> vector<32x4096xf32>
    %dot_general3A_115 = arith.constant dense<0.000000e+00> : vector<128x4096xf32>
    %dot_general3A_116 = tpu.matmul %get3A_19, %concatenate3A, %dot_general3A_115 {dimension_numbers = #tpu.dot_dimension_numbers<[1], [0], [0], [1], [0, 0, 1, 1], [], []>, transpose_lhs_hint = false} : vector<128x32xf32>, vector<32x4096xf32>, vector<128x4096xf32> -> vector<128x4096xf32>
    %get3A_117 = arith.constant 0 : index
    %get3A_118 = arith.constant 0 : index
    %get3A_119 = vector.load %arg24[%get3A_117, %get3A_118] : memref<128x1xf32, #tpu.memory_space<vmem>>, vector<128x1xf32>
    %add3A_120 = vector.broadcast %get3A_119 : vector<128x1xf32> to vector<128x4096xf32>
    %add3A_121 = arith.addf %dot_general3A_116, %add3A_120 : vector<128x4096xf32>
    %max3A_122 = arith.constant 0.000000e+00 : f32
    %max3A_123 = vector.broadcast %max3A_122 : f32 to vector<128x4096xf32>
    %max3A_124 = arith.maximumf %add3A_121, %max3A_123 : vector<128x4096xf32>
    %get3A_125 = arith.constant 0 : index
    %get3A_126 = arith.constant 0 : index
    %get3A_127 = vector.load %arg20[%get3A_125, %get3A_126] : memref<16x128xf32, #tpu.memory_space<vmem>>, vector<16x128xf32>
    %dot_general3A_128 = arith.constant dense<0.000000e+00> : vector<16x4096xf32>
    %dot_general3A_129 = tpu.matmul %get3A_127, %max3A_124, %dot_general3A_128 {dimension_numbers = #tpu.dot_dimension_numbers<[1], [0], [0], [1], [0, 0, 1, 1], [], []>, transpose_lhs_hint = false} : vector<16x128xf32>, vector<128x4096xf32>, vector<16x4096xf32> -> vector<16x4096xf32>
    %get3A_130 = arith.constant 0 : index
    %get3A_131 = arith.constant 0 : index
    %get3A_132 = vector.load %arg25[%get3A_130, %get3A_131] : memref<16x1xf32, #tpu.memory_space<vmem>>, vector<16x1xf32>
    %add3A_133 = vector.broadcast %get3A_132 : vector<16x1xf32> to vector<16x4096xf32>
    %add3A_134 = arith.addf %dot_general3A_129, %add3A_133 : vector<16x4096xf32>
    %max3A_135 = arith.constant 0.000000e+00 : f32
    %max3A_136 = vector.broadcast %max3A_135 : f32 to vector<16x4096xf32>
    %max3A_137 = arith.maximumf %add3A_134, %max3A_136 : vector<16x4096xf32>
    %get3A_138 = arith.constant 0 : index
    %get3A_139 = arith.constant 0 : index
    %get3A_140 = vector.load %arg21[%get3A_138, %get3A_139] : memref<128x16xf32, #tpu.memory_space<vmem>>, vector<128x16xf32>
    %slice3A_141 = vector.extract_strided_slice %max3A_137 {offsets = [0, 0], sizes = [16, 128], strides = [1, 1]} : vector<16x4096xf32> to vector<16x128xf32>
    %dot_general3A_142 = arith.constant dense<0.000000e+00> : vector<16x128xf32>
    %dot_general3A_143 = tpu.matmul %slice3A_141, %get3A_3, %dot_general3A_142 {dimension_numbers = #tpu.dot_dimension_numbers<[1], [0], [0], [1], [0, 0, 1, 1], [], []>, transpose_lhs_hint = false} : vector<16x128xf32>, vector<128x128xf32>, vector<16x128xf32> -> vector<16x128xf32>
    %slice3A_144 = vector.extract_strided_slice %max3A_137 {offsets = [0, 128], sizes = [16, 128], strides = [1, 1]} : vector<16x4096xf32> to vector<16x128xf32>
    %dot_general3A_145 = arith.constant dense<0.000000e+00> : vector<16x128xf32>
    %dot_general3A_146 = tpu.matmul %slice3A_144, %get3A_3, %dot_general3A_145 {dimension_numbers = #tpu.dot_dimension_numbers<[1], [0], [0], [1], [0, 0, 1, 1], [], []>, transpose_lhs_hint = false} : vector<16x128xf32>, vector<128x128xf32>, vector<16x128xf32> -> vector<16x128xf32>
    %slice3A_147 = vector.extract_strided_slice %max3A_137 {offsets = [0, 256], sizes = [16, 128], strides = [1, 1]} : vector<16x4096xf32> to vector<16x128xf32>
    %dot_general3A_148 = arith.constant dense<0.000000e+00> : vector<16x128xf32>
    %dot_general3A_149 = tpu.matmul %slice3A_147, %get3A_3, %dot_general3A_148 {dimension_numbers = #tpu.dot_dimension_numbers<[1], [0], [0], [1], [0, 0, 1, 1], [], []>, transpose_lhs_hint = false} : vector<16x128xf32>, vector<128x128xf32>, vector<16x128xf32> -> vector<16x128xf32>
    %slice3A_150 = vector.extract_strided_slice %max3A_137 {offsets = [0, 384], sizes = [16, 128], strides = [1, 1]} : vector<16x4096xf32> to vector<16x128xf32>
    %dot_general3A_151 = arith.constant dense<0.000000e+00> : vector<16x128xf32>
    %dot_general3A_152 = tpu.matmul %slice3A_150, %get3A_3, %dot_general3A_151 {dimension_numbers = #tpu.dot_dimension_numbers<[1], [0], [0], [1], [0, 0, 1, 1], [], []>, transpose_lhs_hint = false} : vector<16x128xf32>, vector<128x128xf32>, vector<16x128xf32> -> vector<16x128xf32>
    %slice3A_153 = vector.extract_strided_slice %max3A_137 {offsets = [0, 512], sizes = [16, 128], strides = [1, 1]} : vector<16x4096xf32> to vector<16x128xf32>
    %dot_general3A_154 = arith.constant dense<0.000000e+00> : vector<16x128xf32>
    %dot_general3A_155 = tpu.matmul %slice3A_153, %get3A_3, %dot_general3A_154 {dimension_numbers = #tpu.dot_dimension_numbers<[1], [0], [0], [1], [0, 0, 1, 1], [], []>, transpose_lhs_hint = false} : vector<16x128xf32>, vector<128x128xf32>, vector<16x128xf32> -> vector<16x128xf32>
    %slice3A_156 = vector.extract_strided_slice %max3A_137 {offsets = [0, 640], sizes = [16, 128], strides = [1, 1]} : vector<16x4096xf32> to vector<16x128xf32>
    %dot_general3A_157 = arith.constant dense<0.000000e+00> : vector<16x128xf32>
    %dot_general3A_158 = tpu.matmul %slice3A_156, %get3A_3, %dot_general3A_157 {dimension_numbers = #tpu.dot_dimension_numbers<[1], [0], [0], [1], [0, 0, 1, 1], [], []>, transpose_lhs_hint = false} : vector<16x128xf32>, vector<128x128xf32>, vector<16x128xf32> -> vector<16x128xf32>
    %slice3A_159 = vector.extract_strided_slice %max3A_137 {offsets = [0, 768], sizes = [16, 128], strides = [1, 1]} : vector<16x4096xf32> to vector<16x128xf32>
    %dot_general3A_160 = arith.constant dense<0.000000e+00> : vector<16x128xf32>
    %dot_general3A_161 = tpu.matmul %slice3A_159, %get3A_3, %dot_general3A_160 {dimension_numbers = #tpu.dot_dimension_numbers<[1], [0], [0], [1], [0, 0, 1, 1], [], []>, transpose_lhs_hint = false} : vector<16x128xf32>, vector<128x128xf32>, vector<16x128xf32> -> vector<16x128xf32>
    %slice3A_162 = vector.extract_strided_slice %max3A_137 {offsets = [0, 896], sizes = [16, 128], strides = [1, 1]} : vector<16x4096xf32> to vector<16x128xf32>
    %dot_general3A_163 = arith.constant dense<0.000000e+00> : vector<16x128xf32>
    %dot_general3A_164 = tpu.matmul %slice3A_162, %get3A_3, %dot_general3A_163 {dimension_numbers = #tpu.dot_dimension_numbers<[1], [0], [0], [1], [0, 0, 1, 1], [], []>, transpose_lhs_hint = false} : vector<16x128xf32>, vector<128x128xf32>, vector<16x128xf32> -> vector<16x128xf32>
    %slice3A_165 = vector.extract_strided_slice %max3A_137 {offsets = [0, 1024], sizes = [16, 128], strides = [1, 1]} : vector<16x4096xf32> to vector<16x128xf32>
    %dot_general3A_166 = arith.constant dense<0.000000e+00> : vector<16x128xf32>
    %dot_general3A_167 = tpu.matmul %slice3A_165, %get3A_3, %dot_general3A_166 {dimension_numbers = #tpu.dot_dimension_numbers<[1], [0], [0], [1], [0, 0, 1, 1], [], []>, transpose_lhs_hint = false} : vector<16x128xf32>, vector<128x128xf32>, vector<16x128xf32> -> vector<16x128xf32>
    %slice3A_168 = vector.extract_strided_slice %max3A_137 {offsets = [0, 1152], sizes = [16, 128], strides = [1, 1]} : vector<16x4096xf32> to vector<16x128xf32>
    %dot_general3A_169 = arith.constant dense<0.000000e+00> : vector<16x128xf32>
    %dot_general3A_170 = tpu.matmul %slice3A_168, %get3A_3, %dot_general3A_169 {dimension_numbers = #tpu.dot_dimension_numbers<[1], [0], [0], [1], [0, 0, 1, 1], [], []>, transpose_lhs_hint = false} : vector<16x128xf32>, vector<128x128xf32>, vector<16x128xf32> -> vector<16x128xf32>
    %slice3A_171 = vector.extract_strided_slice %max3A_137 {offsets = [0, 1280], sizes = [16, 128], strides = [1, 1]} : vector<16x4096xf32> to vector<16x128xf32>
    %dot_general3A_172 = arith.constant dense<0.000000e+00> : vector<16x128xf32>
    %dot_general3A_173 = tpu.matmul %slice3A_171, %get3A_3, %dot_general3A_172 {dimension_numbers = #tpu.dot_dimension_numbers<[1], [0], [0], [1], [0, 0, 1, 1], [], []>, transpose_lhs_hint = false} : vector<16x128xf32>, vector<128x128xf32>, vector<16x128xf32> -> vector<16x128xf32>
    %slice3A_174 = vector.extract_strided_slice %max3A_137 {offsets = [0, 1408], sizes = [16, 128], strides = [1, 1]} : vector<16x4096xf32> to vector<16x128xf32>
    %dot_general3A_175 = arith.constant dense<0.000000e+00> : vector<16x128xf32>
    %dot_general3A_176 = tpu.matmul %slice3A_174, %get3A_3, %dot_general3A_175 {dimension_numbers = #tpu.dot_dimension_numbers<[1], [0], [0], [1], [0, 0, 1, 1], [], []>, transpose_lhs_hint = false} : vector<16x128xf32>, vector<128x128xf32>, vector<16x128xf32> -> vector<16x128xf32>
    %slice3A_177 = vector.extract_strided_slice %max3A_137 {offsets = [0, 1536], sizes = [16, 128], strides = [1, 1]} : vector<16x4096xf32> to vector<16x128xf32>
    %dot_general3A_178 = arith.constant dense<0.000000e+00> : vector<16x128xf32>
    %dot_general3A_179 = tpu.matmul %slice3A_177, %get3A_3, %dot_general3A_178 {dimension_numbers = #tpu.dot_dimension_numbers<[1], [0], [0], [1], [0, 0, 1, 1], [], []>, transpose_lhs_hint = false} : vector<16x128xf32>, vector<128x128xf32>, vector<16x128xf32> -> vector<16x128xf32>
    %slice3A_180 = vector.extract_strided_slice %max3A_137 {offsets = [0, 1664], sizes = [16, 128], strides = [1, 1]} : vector<16x4096xf32> to vector<16x128xf32>
    %dot_general3A_181 = arith.constant dense<0.000000e+00> : vector<16x128xf32>
    %dot_general3A_182 = tpu.matmul %slice3A_180, %get3A_3, %dot_general3A_181 {dimension_numbers = #tpu.dot_dimension_numbers<[1], [0], [0], [1], [0, 0, 1, 1], [], []>, transpose_lhs_hint = false} : vector<16x128xf32>, vector<128x128xf32>, vector<16x128xf32> -> vector<16x128xf32>
    %slice3A_183 = vector.extract_strided_slice %max3A_137 {offsets = [0, 1792], sizes = [16, 128], strides = [1, 1]} : vector<16x4096xf32> to vector<16x128xf32>
    %dot_general3A_184 = arith.constant dense<0.000000e+00> : vector<16x128xf32>
    %dot_general3A_185 = tpu.matmul %slice3A_183, %get3A_3, %dot_general3A_184 {dimension_numbers = #tpu.dot_dimension_numbers<[1], [0], [0], [1], [0, 0, 1, 1], [], []>, transpose_lhs_hint = false} : vector<16x128xf32>, vector<128x128xf32>, vector<16x128xf32> -> vector<16x128xf32>
    %slice3A_186 = vector.extract_strided_slice %max3A_137 {offsets = [0, 1920], sizes = [16, 128], strides = [1, 1]} : vector<16x4096xf32> to vector<16x128xf32>
    %dot_general3A_187 = arith.constant dense<0.000000e+00> : vector<16x128xf32>
    %dot_general3A_188 = tpu.matmul %slice3A_186, %get3A_3, %dot_general3A_187 {dimension_numbers = #tpu.dot_dimension_numbers<[1], [0], [0], [1], [0, 0, 1, 1], [], []>, transpose_lhs_hint = false} : vector<16x128xf32>, vector<128x128xf32>, vector<16x128xf32> -> vector<16x128xf32>
    %slice3A_189 = vector.extract_strided_slice %max3A_137 {offsets = [0, 2048], sizes = [16, 128], strides = [1, 1]} : vector<16x4096xf32> to vector<16x128xf32>
    %dot_general3A_190 = arith.constant dense<0.000000e+00> : vector<16x128xf32>
    %dot_general3A_191 = tpu.matmul %slice3A_189, %get3A_3, %dot_general3A_190 {dimension_numbers = #tpu.dot_dimension_numbers<[1], [0], [0], [1], [0, 0, 1, 1], [], []>, transpose_lhs_hint = false} : vector<16x128xf32>, vector<128x128xf32>, vector<16x128xf32> -> vector<16x128xf32>
    %slice3A_192 = vector.extract_strided_slice %max3A_137 {offsets = [0, 2176], sizes = [16, 128], strides = [1, 1]} : vector<16x4096xf32> to vector<16x128xf32>
    %dot_general3A_193 = arith.constant dense<0.000000e+00> : vector<16x128xf32>
    %dot_general3A_194 = tpu.matmul %slice3A_192, %get3A_3, %dot_general3A_193 {dimension_numbers = #tpu.dot_dimension_numbers<[1], [0], [0], [1], [0, 0, 1, 1], [], []>, transpose_lhs_hint = false} : vector<16x128xf32>, vector<128x128xf32>, vector<16x128xf32> -> vector<16x128xf32>
    %slice3A_195 = vector.extract_strided_slice %max3A_137 {offsets = [0, 2304], sizes = [16, 128], strides = [1, 1]} : vector<16x4096xf32> to vector<16x128xf32>
    %dot_general3A_196 = arith.constant dense<0.000000e+00> : vector<16x128xf32>
    %dot_general3A_197 = tpu.matmul %slice3A_195, %get3A_3, %dot_general3A_196 {dimension_numbers = #tpu.dot_dimension_numbers<[1], [0], [0], [1], [0, 0, 1, 1], [], []>, transpose_lhs_hint = false} : vector<16x128xf32>, vector<128x128xf32>, vector<16x128xf32> -> vector<16x128xf32>
    %slice3A_198 = vector.extract_strided_slice %max3A_137 {offsets = [0, 2432], sizes = [16, 128], strides = [1, 1]} : vector<16x4096xf32> to vector<16x128xf32>
    %dot_general3A_199 = arith.constant dense<0.000000e+00> : vector<16x128xf32>
    %dot_general3A_200 = tpu.matmul %slice3A_198, %get3A_3, %dot_general3A_199 {dimension_numbers = #tpu.dot_dimension_numbers<[1], [0], [0], [1], [0, 0, 1, 1], [], []>, transpose_lhs_hint = false} : vector<16x128xf32>, vector<128x128xf32>, vector<16x128xf32> -> vector<16x128xf32>
    %slice3A_201 = vector.extract_strided_slice %max3A_137 {offsets = [0, 2560], sizes = [16, 128], strides = [1, 1]} : vector<16x4096xf32> to vector<16x128xf32>
    %dot_general3A_202 = arith.constant dense<0.000000e+00> : vector<16x128xf32>
    %dot_general3A_203 = tpu.matmul %slice3A_201, %get3A_3, %dot_general3A_202 {dimension_numbers = #tpu.dot_dimension_numbers<[1], [0], [0], [1], [0, 0, 1, 1], [], []>, transpose_lhs_hint = false} : vector<16x128xf32>, vector<128x128xf32>, vector<16x128xf32> -> vector<16x128xf32>
    %slice3A_204 = vector.extract_strided_slice %max3A_137 {offsets = [0, 2688], sizes = [16, 128], strides = [1, 1]} : vector<16x4096xf32> to vector<16x128xf32>
    %dot_general3A_205 = arith.constant dense<0.000000e+00> : vector<16x128xf32>
    %dot_general3A_206 = tpu.matmul %slice3A_204, %get3A_3, %dot_general3A_205 {dimension_numbers = #tpu.dot_dimension_numbers<[1], [0], [0], [1], [0, 0, 1, 1], [], []>, transpose_lhs_hint = false} : vector<16x128xf32>, vector<128x128xf32>, vector<16x128xf32> -> vector<16x128xf32>
    %slice3A_207 = vector.extract_strided_slice %max3A_137 {offsets = [0, 2816], sizes = [16, 128], strides = [1, 1]} : vector<16x4096xf32> to vector<16x128xf32>
    %dot_general3A_208 = arith.constant dense<0.000000e+00> : vector<16x128xf32>
    %dot_general3A_209 = tpu.matmul %slice3A_207, %get3A_3, %dot_general3A_208 {dimension_numbers = #tpu.dot_dimension_numbers<[1], [0], [0], [1], [0, 0, 1, 1], [], []>, transpose_lhs_hint = false} : vector<16x128xf32>, vector<128x128xf32>, vector<16x128xf32> -> vector<16x128xf32>
    %slice3A_210 = vector.extract_strided_slice %max3A_137 {offsets = [0, 2944], sizes = [16, 128], strides = [1, 1]} : vector<16x4096xf32> to vector<16x128xf32>
    %dot_general3A_211 = arith.constant dense<0.000000e+00> : vector<16x128xf32>
    %dot_general3A_212 = tpu.matmul %slice3A_210, %get3A_3, %dot_general3A_211 {dimension_numbers = #tpu.dot_dimension_numbers<[1], [0], [0], [1], [0, 0, 1, 1], [], []>, transpose_lhs_hint = false} : vector<16x128xf32>, vector<128x128xf32>, vector<16x128xf32> -> vector<16x128xf32>
    %slice3A_213 = vector.extract_strided_slice %max3A_137 {offsets = [0, 3072], sizes = [16, 128], strides = [1, 1]} : vector<16x4096xf32> to vector<16x128xf32>
    %dot_general3A_214 = arith.constant dense<0.000000e+00> : vector<16x128xf32>
    %dot_general3A_215 = tpu.matmul %slice3A_213, %get3A_3, %dot_general3A_214 {dimension_numbers = #tpu.dot_dimension_numbers<[1], [0], [0], [1], [0, 0, 1, 1], [], []>, transpose_lhs_hint = false} : vector<16x128xf32>, vector<128x128xf32>, vector<16x128xf32> -> vector<16x128xf32>
    %slice3A_216 = vector.extract_strided_slice %max3A_137 {offsets = [0, 3200], sizes = [16, 128], strides = [1, 1]} : vector<16x4096xf32> to vector<16x128xf32>
    %dot_general3A_217 = arith.constant dense<0.000000e+00> : vector<16x128xf32>
    %dot_general3A_218 = tpu.matmul %slice3A_216, %get3A_3, %dot_general3A_217 {dimension_numbers = #tpu.dot_dimension_numbers<[1], [0], [0], [1], [0, 0, 1, 1], [], []>, transpose_lhs_hint = false} : vector<16x128xf32>, vector<128x128xf32>, vector<16x128xf32> -> vector<16x128xf32>
    %slice3A_219 = vector.extract_strided_slice %max3A_137 {offsets = [0, 3328], sizes = [16, 128], strides = [1, 1]} : vector<16x4096xf32> to vector<16x128xf32>
    %dot_general3A_220 = arith.constant dense<0.000000e+00> : vector<16x128xf32>
    %dot_general3A_221 = tpu.matmul %slice3A_219, %get3A_3, %dot_general3A_220 {dimension_numbers = #tpu.dot_dimension_numbers<[1], [0], [0], [1], [0, 0, 1, 1], [], []>, transpose_lhs_hint = false} : vector<16x128xf32>, vector<128x128xf32>, vector<16x128xf32> -> vector<16x128xf32>
    %slice3A_222 = vector.extract_strided_slice %max3A_137 {offsets = [0, 3456], sizes = [16, 128], strides = [1, 1]} : vector<16x4096xf32> to vector<16x128xf32>
    %dot_general3A_223 = arith.constant dense<0.000000e+00> : vector<16x128xf32>
    %dot_general3A_224 = tpu.matmul %slice3A_222, %get3A_3, %dot_general3A_223 {dimension_numbers = #tpu.dot_dimension_numbers<[1], [0], [0], [1], [0, 0, 1, 1], [], []>, transpose_lhs_hint = false} : vector<16x128xf32>, vector<128x128xf32>, vector<16x128xf32> -> vector<16x128xf32>
    %slice3A_225 = vector.extract_strided_slice %max3A_137 {offsets = [0, 3584], sizes = [16, 128], strides = [1, 1]} : vector<16x4096xf32> to vector<16x128xf32>
    %dot_general3A_226 = arith.constant dense<0.000000e+00> : vector<16x128xf32>
    %dot_general3A_227 = tpu.matmul %slice3A_225, %get3A_3, %dot_general3A_226 {dimension_numbers = #tpu.dot_dimension_numbers<[1], [0], [0], [1], [0, 0, 1, 1], [], []>, transpose_lhs_hint = false} : vector<16x128xf32>, vector<128x128xf32>, vector<16x128xf32> -> vector<16x128xf32>
    %slice3A_228 = vector.extract_strided_slice %max3A_137 {offsets = [0, 3712], sizes = [16, 128], strides = [1, 1]} : vector<16x4096xf32> to vector<16x128xf32>
    %dot_general3A_229 = arith.constant dense<0.000000e+00> : vector<16x128xf32>
    %dot_general3A_230 = tpu.matmul %slice3A_228, %get3A_3, %dot_general3A_229 {dimension_numbers = #tpu.dot_dimension_numbers<[1], [0], [0], [1], [0, 0, 1, 1], [], []>, transpose_lhs_hint = false} : vector<16x128xf32>, vector<128x128xf32>, vector<16x128xf32> -> vector<16x128xf32>
    %slice3A_231 = vector.extract_strided_slice %max3A_137 {offsets = [0, 3840], sizes = [16, 128], strides = [1, 1]} : vector<16x4096xf32> to vector<16x128xf32>
    %dot_general3A_232 = arith.constant dense<0.000000e+00> : vector<16x128xf32>
    %dot_general3A_233 = tpu.matmul %slice3A_231, %get3A_3, %dot_general3A_232 {dimension_numbers = #tpu.dot_dimension_numbers<[1], [0], [0], [1], [0, 0, 1, 1], [], []>, transpose_lhs_hint = false} : vector<16x128xf32>, vector<128x128xf32>, vector<16x128xf32> -> vector<16x128xf32>
    %slice3A_234 = vector.extract_strided_slice %max3A_137 {offsets = [0, 3968], sizes = [16, 128], strides = [1, 1]} : vector<16x4096xf32> to vector<16x128xf32>
    %dot_general3A_235 = arith.constant dense<0.000000e+00> : vector<16x128xf32>
    %dot_general3A_236 = tpu.matmul %slice3A_234, %get3A_3, %dot_general3A_235 {dimension_numbers = #tpu.dot_dimension_numbers<[1], [0], [0], [1], [0, 0, 1, 1], [], []>, transpose_lhs_hint = false} : vector<16x128xf32>, vector<128x128xf32>, vector<16x128xf32> -> vector<16x128xf32>
    %concatenate3A_237 = tpu.concatenate %dot_general3A_143, %dot_general3A_146, %dot_general3A_149, %dot_general3A_152, %dot_general3A_155, %dot_general3A_158, %dot_general3A_161, %dot_general3A_164, %dot_general3A_167, %dot_general3A_170, %dot_general3A_173, %dot_general3A_176, %dot_general3A_179, %dot_general3A_182, %dot_general3A_185, %dot_general3A_188, %dot_general3A_191, %dot_general3A_194, %dot_general3A_197, %dot_general3A_200, %dot_general3A_203, %dot_general3A_206, %dot_general3A_209, %dot_general3A_212, %dot_general3A_215, %dot_general3A_218, %dot_general3A_221, %dot_general3A_224, %dot_general3A_227, %dot_general3A_230, %dot_general3A_233, %dot_general3A_236 in 1 : vector<16x128xf32>, vector<16x128xf32>, vector<16x128xf32>, vector<16x128xf32>, vector<16x128xf32>, vector<16x128xf32>, vector<16x128xf32>, vector<16x128xf32>, vector<16x128xf32>, vector<16x128xf32>, vector<16x128xf32>, vector<16x128xf32>, vector<16x128xf32>, vector<16x128xf32>, vector<16x128xf32>, vector<16x128xf32>, vector<16x128xf32>, vector<16x128xf32>, vector<16x128xf32>, vector<16x128xf32>, vector<16x128xf32>, vector<16x128xf32>, vector<16x128xf32>, vector<16x128xf32>, vector<16x128xf32>, vector<16x128xf32>, vector<16x128xf32>, vector<16x128xf32>, vector<16x128xf32>, vector<16x128xf32>, vector<16x128xf32>, vector<16x128xf32> -> vector<16x4096xf32>
    %dot_general3A_238 = arith.constant dense<0.000000e+00> : vector<128x4096xf32>
    %dot_general3A_239 = tpu.matmul %get3A_140, %concatenate3A_237, %dot_general3A_238 {dimension_numbers = #tpu.dot_dimension_numbers<[1], [0], [0], [1], [0, 0, 1, 1], [], []>, transpose_lhs_hint = false} : vector<128x16xf32>, vector<16x4096xf32>, vector<128x4096xf32> -> vector<128x4096xf32>
    %get3A_240 = arith.constant 0 : index
    %get3A_241 = arith.constant 0 : index
    %get3A_242 = vector.load %arg26[%get3A_240, %get3A_241] : memref<128x1xf32, #tpu.memory_space<vmem>>, vector<128x1xf32>
    %add3A_243 = vector.broadcast %get3A_242 : vector<128x1xf32> to vector<128x4096xf32>
    %add3A_244 = arith.addf %dot_general3A_239, %add3A_243 : vector<128x4096xf32>
    %max3A_245 = arith.constant 0.000000e+00 : f32
    %max3A_246 = vector.broadcast %max3A_245 : f32 to vector<128x4096xf32>
    %max3A_247 = arith.maximumf %add3A_244, %max3A_246 : vector<128x4096xf32>
    %get3A_248 = arith.constant 0 : index
    %get3A_249 = arith.constant 0 : index
    %get3A_250 = vector.load %arg13[%get3A_248, %get3A_249] : memref<1x128xf32, #tpu.memory_space<vmem>>, vector<1x128xf32>
    %dot_general3A_251 = arith.constant dense<0.000000e+00> : vector<1x4096xf32>
    %dot_general3A_252 = tpu.matmul %get3A_250, %max3A_247, %dot_general3A_251 {dimension_numbers = #tpu.dot_dimension_numbers<[1], [0], [0], [1], [0, 0, 1, 1], [], []>, transpose_lhs_hint = false} : vector<1x128xf32>, vector<128x4096xf32>, vector<1x4096xf32> -> vector<1x4096xf32>
    %get3A_253 = arith.constant 0 : index
    %get3A_254 = arith.constant 0 : index
    %get3A_255 = memref.load %arg14[%get3A_253, %get3A_254] : memref<1x1xf32, #tpu.memory_space<smem>>
    %add3A_256 = vector.broadcast %get3A_255 : f32 to vector<1x4096xf32>
    %add3A_257 = arith.addf %dot_general3A_252, %add3A_256 : vector<1x4096xf32>
    %max3A_258 = arith.constant 0.000000e+00 : f32
    %max3A_259 = vector.broadcast %max3A_258 : f32 to vector<1x4096xf32>
    %max3A_260 = arith.maximumf %add3A_257, %max3A_259 : vector<1x4096xf32>
    %get3A_261 = arith.constant 0 : index
    %get3A_262 = arith.constant 0 : index
    %get3A_263 = vector.load %arg27[%get3A_261, %get3A_262] : memref<4096x128xf32, #tpu.memory_space<vmem>>, vector<4096x128xf32>
    %dot_general3A_264 = arith.constant dense<0.000000e+00> : vector<1x128xf32>
    %dot_general3A_265 = tpu.matmul %max3A_260, %get3A_263, %dot_general3A_264 {dimension_numbers = #tpu.dot_dimension_numbers<[1], [0], [0], [1], [0, 0, 1, 1], [], []>, transpose_lhs_hint = false} : vector<1x4096xf32>, vector<4096x128xf32>, vector<1x128xf32> -> vector<1x128xf32>
    %get3A_266 = arith.constant 0 : index
    %get3A_267 = arith.constant 0 : index
    %get3A_268 = memref.load %arg16[%get3A_266, %get3A_267] : memref<1x1xf32, #tpu.memory_space<smem>>
    %add3A_269 = vector.broadcast %get3A_268 : f32 to vector<1x128xf32>
    %add3A_270 = arith.addf %dot_general3A_265, %add3A_269 : vector<1x128xf32>
    %logistic3A = arith.negf %add3A_270 : vector<1x128xf32>
    %logistic3A_271 = math.exp %logistic3A : vector<1x128xf32>
    %logistic3A_272 = arith.constant 1.000000e+00 : f32
    %logistic3A_273 = vector.broadcast %logistic3A_272 : f32 to vector<1x128xf32>
    %logistic3A_274 = arith.addf %logistic3A_273, %logistic3A_271 : vector<1x128xf32>
    %logistic3A_275 = arith.divf %logistic3A_273, %logistic3A_274 : vector<1x128xf32>
    %reshape3A = vector.shape_cast %logistic3A_275 : vector<1x128xf32> to vector<1x1x128xf32>
    %swap3A = arith.constant 0 : index
    %swap3A_276 = arith.constant 0 : index
    %swap3A_277 = arith.constant 0 : index
    %swap3A_278 = vector.load %arg17[%swap3A, %swap3A_276, %swap3A_277] : memref<1x1x128xf32, #tpu.memory_space<vmem>>, vector<1x1x128xf32>
    tpu.vector_store %arg17[%swap3A, %swap3A_276, %swap3A_277], %reshape3A {strides = array<i32>} : memref<1x1x128xf32, #tpu.memory_space<vmem>>, vector<1x1x128xf32>,
    return
  }
  func.func @transform_0(%arg0: i32) -> (i32, i32) {
    %c0_i32 = arith.constant 0 : i32
    %c0_i32_0 = arith.constant 0 : i32
    return %arg0, %c0_i32 : i32, i32
  }
  func.func @transform_1(%arg0: i32) -> (i32, i32) {
    %c0_i32 = arith.constant 0 : i32
    %c0_i32_0 = arith.constant 0 : i32
    %c0_i32_1 = arith.constant 0 : i32
    return %c0_i32, %c0_i32_0 : i32, i32
  }
  func.func @transform_2(%arg0: i32) -> (i32, i32) {
    %c0_i32 = arith.constant 0 : i32
    %c0_i32_0 = arith.constant 0 : i32
    %c0_i32_1 = arith.constant 0 : i32
    return %c0_i32, %c0_i32_0 : i32, i32
  }
  func.func @transform_3(%arg0: i32) -> (i32, i32) {
    %c0_i32 = arith.constant 0 : i32
    %c0_i32_0 = arith.constant 0 : i32
    %c0_i32_1 = arith.constant 0 : i32
    return %c0_i32, %c0_i32_0 : i32, i32
  }
  func.func @transform_4(%arg0: i32) -> (i32, i32) {
    %c0_i32 = arith.constant 0 : i32
    %c0_i32_0 = arith.constant 0 : i32
    %c0_i32_1 = arith.constant 0 : i32
    return %c0_i32, %c0_i32_0 : i32, i32
  }
  func.func @transform_5(%arg0: i32) -> (i32, i32) {
    %c0_i32 = arith.constant 0 : i32
    %c0_i32_0 = arith.constant 0 : i32
    %c0_i32_1 = arith.constant 0 : i32
    return %c0_i32, %c0_i32_0 : i32, i32
  }
  func.func @transform_6(%arg0: i32) -> (i32, i32) {
    %c0_i32 = arith.constant 0 : i32
    %c0_i32_0 = arith.constant 0 : i32
    %c0_i32_1 = arith.constant 0 : i32
    return %c0_i32, %c0_i32_0 : i32, i32
  }
  func.func @transform_7(%arg0: i32) -> (i32, i32) {
    %c0_i32 = arith.constant 0 : i32
    %c0_i32_0 = arith.constant 0 : i32
    %c0_i32_1 = arith.constant 0 : i32
    return %c0_i32, %c0_i32_0 : i32, i32
  }
  func.func @transform_8(%arg0: i32) -> (i32, i32) {
    %c0_i32 = arith.constant 0 : i32
    %c0_i32_0 = arith.constant 0 : i32
    %c0_i32_1 = arith.constant 0 : i32
    return %c0_i32, %c0_i32_0 : i32, i32
  }
  func.func @transform_9(%arg0: i32) -> (i32, i32) {
    %c0_i32 = arith.constant 0 : i32
    %c0_i32_0 = arith.constant 0 : i32
    %c0_i32_1 = arith.constant 0 : i32
    return %c0_i32, %c0_i32_0 : i32, i32
  }
  func.func @transform_10(%arg0: i32) -> (i32, i32) {
    %c0_i32 = arith.constant 0 : i32
    %c0_i32_0 = arith.constant 0 : i32
    %c0_i32_1 = arith.constant 0 : i32
    return %c0_i32, %c0_i32_0 : i32, i32
  }
  func.func @transform_11(%arg0: i32) -> (i32, i32) {
    %c0_i32 = arith.constant 0 : i32
    %c0_i32_0 = arith.constant 0 : i32
    %c0_i32_1 = arith.constant 0 : i32
    return %c0_i32, %c0_i32_0 : i32, i32
  }
  func.func @transform_12(%arg0: i32) -> (i32, i32) {
    %c0_i32 = arith.constant 0 : i32
    %c0_i32_0 = arith.constant 0 : i32
    %c0_i32_1 = arith.constant 0 : i32
    return %c0_i32, %c0_i32_0 : i32, i32
  }
  func.func @transform_13(%arg0: i32) -> (i32, i32) {
    %c0_i32 = arith.constant 0 : i32
    %c0_i32_0 = arith.constant 0 : i32
    %c0_i32_1 = arith.constant 0 : i32
    return %c0_i32, %c0_i32_0 : i32, i32
  }
  func.func @transform_14(%arg0: i32) -> (i32, i32) {
    %c0_i32 = arith.constant 0 : i32
    %c0_i32_0 = arith.constant 0 : i32
    %c0_i32_1 = arith.constant 0 : i32
    return %c0_i32, %c0_i32_0 : i32, i32
  }
  func.func @transform_15(%arg0: i32) -> (i32, i32) {
    %c0_i32 = arith.constant 0 : i32
    %c0_i32_0 = arith.constant 0 : i32
    %c0_i32_1 = arith.constant 0 : i32
    return %c0_i32, %c0_i32_0 : i32, i32
  }
  func.func @transform_16(%arg0: i32) -> (i32, i32, i32) {
    %c0_i32 = arith.constant 0 : i32
    %c0_i32_0 = arith.constant 0 : i32
    %c0_i32_1 = arith.constant 0 : i32
    return %arg0, %c0_i32, %c0_i32_0 : i32, i32, i32
  }
}

</mosaic_0001>

<sc_bundles>
// kernel: kernel.4.cloned.1.call-start
scs
__scs_entry_jumppad:
0x0: {  	(pc) =	sbr.rel $0x88, $3  }
0x1: {  	(tag) =	ssettag $0x0;
	lr =	simm.s32 $0x1  }
0x2: {  	[smem:$0x3F90] =	sst lr;
	_ =	strace $0xD0000000  }
0x3: {  	_ = 	snop  }
0x4: {  	_ = 	snop  }
0x5: {  	_ = 	snop  }
0x6: {  	_ = 	snop  }
0x7: {  	_ = 	snop  }
__scs_overlays_trampoline_lowered:
0x8: {  	[smem:$0x3F9F] =	sst s0  }
0x9: {  	[smem:$0x3FA0] =	sst s1  }
0xa: {  	[smem:$0x3FA1] =	sst s2  }
0xb: {  	[smem:$0x3FA2] =	sst s3  }
0xc: {  	[smem:$0x3FA3] =	sst s4  }
0xd: {  	[smem:$0x3FA4] =	sst s5  }
0xe: {  	[smem:$0x3FA5] =	sst s6  }
0xf: {  	[smem:$0x3FA6] =	sst s7  }
0x10: {  	[smem:$0x3FA7] =	sst s8  }
0x11: {  	[smem:$0x3FA8] =	sst s9;
	s0 =	simm.s32 @!p0 $0x0  }
0x12: {  	s1 =	sld [smem:$0x3F8E];
	s0 =	simm.s32 @p0 $0x1  }
0x13: {  	[smem:$0x3FA9] =	sst s0;
	s0 =	simm.s32 @!p1 $0x0  }
0x14: {  	s2 =	sld [smem:$0x3F8D];
	s0 =	simm.s32 @p1 $0x1  }
0x15: {  	[smem:$0x3FAA] =	sst s0;
	s0 =	simm.s32 @!p2 $0x0  }
0x16: {  	s3 =	sld [smem:$0x3FDB];
	s0 =	simm.s32 @p2 $0x1  }
0x17: {  	s4 =	simm.s32 $0x1BF5;
	[smem:$0x3FAC] =	sst s0  }
0x18: {  	s0 =	sld [smem:$0x3F8F];
	_ =	swait.ge [sflag:s4], $0x0  }
0x19: {  	s7 =	sld [smem:$0x3F90]  }
0x1a: {  	s8 =	sadd.s32 $0xFFFFE003, lr  }
0x1b: {  	s9 =	sadd.s32 $0xFFFFFEF7, lr;
	s5 =	simm.s32 $0xFFFFFFFF;
	p2 =	slt.u32 s8, $0xFFFFF086  }
0x1c: {  	p1 =	slt.u32 s9, $0xF7A;
	s5 =	simm.s32 @!p2 $0x0  }
0x1d: {  	s5 =	simm.s32 @p1 $0x1;
	p0 =	seq.s32 s7, s2  }
0x1e: {  	s7 =	smul.u32 @!p0 $0xF7A, s2;
	p2 =	seq.s32 @!p0 s5, $0x0  }
0x1f: {  	s9 =	smul.u32 $0xF7A, s1;
	s8 =	simm.s32 @!p0 $0x1BF5;
	p2 =	por !p2, p0  }
0x20: {  	[sflag:s8] =	ssyncset.s32 @!p0 $0xFFFFF086;
	s6 =	sadd.s32 @!p0 s3, s7;
	s7 =	simm.s32 @!p0 $0x108  }
0x21: {  	s3 =	sadd.s32 s3, s9;
	s6 =	sadd.s32 @!p0 $0x88, s6;
	s7 =	simm.s32 @p2 $0x1082  }
0x22: {  	[simem:s7], [sflag:s8] =	dma.local @!p0 [hbm:s6], $0xF7A  }
0x23: {  	s9 =	sor.u32 $0xD0000000, s2;
	s6 =	simm.s32 $0x108;
	_ =	swait.ge @!p0 [sflag:s8], $0x0  }
0x24: {  	s3 =	sadd.s32 $0x88, s3;
	s6 =	simm.s32 @!p1 $0x1082;
	[sflag:s4] =	ssyncset.s32 $0xFFFFF086  }
0x25: {  	[simem:s6], [sflag:s4] =	dma.local [hbm:s3], $0xF7A  }
0x26: {  	[smem:$0x3F90] =	sst s1;
	(tag) =	ssettag s2;
	_ =	strace s9  }
0x27: {  	s1 =	sld [smem:$0x3FA0]  }
0x28: {  	s2 =	sld [smem:$0x3FA1]  }
0x29: {  	s4 =	sld [smem:$0x3FA3]  }
0x2a: {  	p0 =	seq.s32 s5, $0x0;
	s5 =	sld [smem:$0x3FA4]  }
0x2b: {  	s6 =	sld [smem:$0x3FA5]  }
0x2c: {  	s7 =	sld [smem:$0x3FA6]  }
0x2d: {  	s3 =	simm.s32 $0x108;
	s8 =	sld [smem:$0x3FA7]  }
0x2e: {  	s3 =	simm.s32 @!p0 $0x1082;
	s9 =	sld [smem:$0x3FA8]  }
0x2f: {  	lr =	sadd.s32 s0, s3;
	s0 =	sld [smem:$0x3F9F]  }
0x30: {  	s3 =	sld [smem:$0x3FA2]  }
0x31: {  	[smem:$0x3FAB] =	sst s10  }
0x32: {  	s10 =	sld [smem:$0x3FA9];
	_ =	sdelay $0x3  }
0x33: {  	p0 =	seq.s32 s10, $0x1;
	s10 =	sld [smem:$0x3FAB];
	_ =	sdelay $0x3  }
0x34: {  	[smem:$0x3FAB] =	sst s10  }
0x35: {  	s10 =	sld [smem:$0x3FAA];
	_ =	sdelay $0x3  }
0x36: {  	p1 =	seq.s32 s10, $0x1;
	s10 =	sld [smem:$0x3FAB];
	_ =	sdelay $0x3  }
0x37: {  	[smem:$0x3FAB] =	sst s10  }
0x38: {  	s10 =	sld [smem:$0x3FAC]  }
0x39: {  	_ = 	snop;
	(pc) =	sbr.ind lr, $3  }
0x3a: {  	_ = 	snop  }
0x3b: {  	_ = 	snop  }
0x3c: {  	p2 =	seq.s32 s10, $0x1;
	s10 =	sld [smem:$0x3FAB]  }
0x3d: {  	_ =	shalt  }
0x3e: {  	_ =	shalt  }
0x3f: {  	_ =	shalt  }
0x40: {  	_ =	shalt  }
0x41: {  	_ =	shalt  }
0x42: {  	_ =	shalt  }
0x43: {  	_ =	shalt  }
0x44: {  	_ =	shalt  }
0x45: {  	_ =	shalt  }
0x46: {  	_ =	shalt  }
0x47: {  	_ =	shalt  }
0x48: {  	_ =	shalt  }
0x49: {  	_ =	shalt  }
0x4a: {  	_ =	shalt  }
0x4b: {  	_ =	shalt  }
0x4c: {  	_ =	shalt  }
0x4d: {  	_ =	shalt  }
0x4e: {  	_ =	shalt  }
0x4f: {  	_ =	shalt  }
0x50: {  	_ =	shalt  }
0x51: {  	_ =	shalt  }
0x52: {  	_ =	shalt  }
0x53: {  	_ =	shalt  }
0x54: {  	_ =	shalt  }
0x55: {  	_ =	shalt  }
0x56: {  	_ =	shalt  }
0x57: {  	_ =	shalt  }
0x58: {  	_ =	shalt  }
0x59: {  	_ =	shalt  }
0x5a: {  	_ =	shalt  }
0x5b: {  	_ =	shalt  }
0x5c: {  	_ =	shalt  }
0x5d: {  	_ =	shalt  }
0x5e: {  	_ =	shalt  }
0x5f: {  	_ =	shalt  }
0x60: {  	_ =	shalt  }
0x61: {  	_ =	shalt  }
0x62: {  	_ =	shalt  }
0x63: {  	_ =	shalt  }
0x64: {  	_ =	shalt  }
0x65: {  	_ =	shalt  }
0x66: {  	_ =	shalt  }
0x67: {  	_ =	shalt  }
0x68: {  	_ =	shalt  }
0x69: {  	_ =	shalt  }
0x6a: {  	_ =	shalt  }
0x6b: {  	_ =	shalt  }
0x6c: {  	_ =	shalt  }
0x6d: {  	_ =	shalt  }
0x6e: {  	_ =	shalt  }
0x6f: {  	_ =	shalt  }
0x70: {  	_ =	shalt  }
0x71: {  	_ =	shalt  }
0x72: {  	_ =	shalt  }
0x73: {  	_ =	shalt  }
0x74: {  	_ =	shalt  }
0x75: {  	_ =	shalt  }
0x76: {  	_ =	shalt  }
0x77: {  	_ =	shalt  }
0x78: {  	_ =	shalt  }
0x79: {  	_ =	shalt  }
0x7a: {  	_ =	shalt  }
0x7b: {  	_ =	shalt  }
0x7c: {  	_ =	shalt  }
0x7d: {  	_ =	shalt  }
0x7e: {  	_ =	shalt  }
0x7f: {  	_ =	shalt  }
0x80: {  	_ =	shalt  }
0x81: {  	_ =	shalt  }
0x82: {  	_ =	shalt  }
0x83: {  	_ =	shalt  }
0x84: {  	_ =	shalt  }
0x85: {  	_ =	shalt  }
0x86: {  	_ =	shalt  }
0x87: {  	_ =	shalt  }
.Lfunc_end0:
.L_simem_size_0:
called_computation_lowered:
.L_overlay_start_0:
0x88: {  	s2 =	sld [smem:$0x3FD9]  }
0x89: {  	s3 =	sld [smem:$0x3FFE];
	_ =	sdelay $0x1  }
0x8a: {  	s1 =	srdreg.scid  }
0x8b: {  	s0 =	sand.u32 $0x1, s1  }
0x8c: {  	s18 =	sshll.u32 s0, $0xA;
	s2 =	sadd.s32 s3, s2  }
0x8d: {  	s2 =	sadd.s32 s2, s18  }
0x8e: {  	[smem:$0x3FB7] =	sst s2  }
0x8f: {  	_ = 	snop  }
0x90: {  	s2 =	sld [smem:$0x3FC8]  }
0x91: {  	s19 =	sld [smem:$0x3FC7]  }
0x92: {  	s4 =	sld [smem:$0x3FD0];
	(tm) =	ssettm $0x1  }
0x93: {  	s5 =	sld [smem:$0x3FFB];
	_ =	sdelay $0x3  }
0x94: {  	_ =	strace s5  }
0x95: {  	s5 =	sld [smem:$0x3FFC];
	_ =	sdelay $0x3  }
0x96: {  	_ =	strace s5  }
0x97: {  	s5 =	sld [smem:$0x3FFD];
	_ =	sdelay $0x3  }
0x98: {  	_ =	strace s5  }
0x99: {  	_ =	strace $0x8FFFFFFF  }
0x9a: {  	s20 =	sld [smem:$0x3FDB];
	_ =	sdelay $0x1  }
0x9b: {  	s6 =	simm.s32 $_scs_section_size  }
0x9c: {  	s7 =	simm.s32 $_size__tile_overlayer_lowered;
	s8 =	simm.s32 $_tile_overlayer_lowered  }
0x9d: {  	s23 =	simm.s32 $0x1BFF;
	s22 =	sshll.u32 s8, $0x1;
	s5 =	sadd.s32 s6, s20  }
0x9e: {  	s9 =	simm.s32 $0x0;
	s21 =	sshll.u32 s7, $0x1;
	s7 =	sadd.s32 s22, s5  }
0x9f: {  	[timem:s9], [sflag:s23] =	dma.local [hbm:s7], s21  }
0xa0: {  	_ =	swait.ge [sflag:s23], s21  }
0xa1: {  	s6 =	ssub.s32 $0x0, s21;
	[sflag:s23] =	ssyncset.done $0x0  }
0xa2: {  	[sflag:s23] =	ssyncadd.s32 s6;
	_ =	sdelay $0x1  }
0xa3: {  	s24 =	simm.s32 $0x1B8B  }
0xa4: {  	_ =	swait.ge [sflag:s24], $0x1  }
0xa5: {  	[sflag:s24] =	ssyncset.done $0x0  }
0xa6: {  	s25 =	simm.s32 $0x1B8E;
	[sflag:s24] =	ssyncadd.s32 $0xFFFFFFFF  }
0xa7: {  	s26 =	simm.s32 $execute0_lowered;
	[smem:$0x3FD2] =	sst s25  }
0xa8: {  	s6 =	sshll.u32 s26, $0x1;
	_ =	strace $0x80000046;
	[dreg:$0x1] =	wrdreg $0xFFFFFFFF  }
0xa9: {  	s28 =	simm.s32 $_size_execute0_lowered;
	s5 =	sadd.s32 s5, s6;
	[dreg:$0x0] =	wrdreg $0x0  }
0xaa: {  	s6 =	sshll.u32 s28, $0x1;
	[dreg:$0x2] =	wrdreg s5  }
0xab: {  	[dreg:$0x3] =	wrdreg s6  }
0xac: {  	[dreg:$0x4] =	wrdreg $0xC0  }
0xad: {  	_ =	task [dreg:s9], $0x5FFFF  }
0xae: {  	[dreg:$0x1] =	wrdreg $0xFFFFFFFF  }
0xaf: {  	[dreg:$0x0] =	wrdreg $0x60  }
0xb0: {  	[dreg:$0x2] =	wrdreg s2  }
0xb1: {  	[dreg:$0x3] =	wrdreg s19  }
0xb2: {  	[dreg:$0x4] =	wrdreg s4  }
0xb3: {  	[dreg:$0x5] =	wrdreg $0x9  }
0xb4: {  	_ =	task.clear_ibuf [dreg:s9], $0x6FFFF;
	_ =	strace $0x90000046  }
0xb5: {  	s29 =	simm.s32 $0x9;
	_ =	strace $0x80000048  }
0xb6: {  	_ =	swait.ge [sflag:s29], $0x1  }
0xb7: {  	[sflag:s29] =	ssyncadd.s32 $0xFFFFFFFF  }
0xb8: {  	_ =	strace $0x90000048  }
0xb9: {  	_ =	sfence  }
0xba: {  	s30 =	sld [smem:$0x0];
	_ =	sdelay $0x2  }
0xbb: {  	s31 =	sshll.u32 s1, $0xD;
	s1 =	sshrl.u32 s1, $0x2  }
0xbc: {  	s3 =	sand.u32 $0x4000, s31;
	s1 =	sadd.s32 s1, s30  }
0xbd: {  	s0 =	sor.u32 s3, s0;
	s1 =	sshll.u32 s1, $0x11  }
0xbe: {  	s0 =	sor.u32 s1, s0  }
0xbf: {  	s0 =	sadd.s32 $0x8F2B, s0  }
0xc0: {  	[sflag:s0] =	ssyncadd.remote.s32 $0x1  }
0xc1: {  	_ =	sfence.sel $0xFFFF  }
0xc2: {  	[dreg:$0x0] =	wrdreg $0xFFFFFFFF;
	(pc) =	sbr.abs _section_cstart, $3  }
0xc3: {  	[dreg:$0x1] =	wrdreg $0xFFFFFFFF  }
0xc4: {  	_ =	task.clear_ibuf [dreg:s9], $0x2FFFF;
	_ =	strace $0x9FFFFFFF  }
0xc5: {  	(tm) =	ssettm $0x7FFFFFFF  }
tec
execute0_lowered:
.L_overlay_start_1:
0x0: {  	(tag) =	ssettag $0x1  }
0x1: {  	s3 =	srdreg.scid  }
0x2: {  	s6 =	sand.u32 $0x1, s3;
	s3 =	stileid.u32  }
0x3: {  	s7 =	sshll.u32 s3, $0x1;
	s8 =	ssub.s32 $0x0, s6  }
0x4: {  	p0 =	sne.s32 s7, s8  }
.Ltmp0:
0x5: {  	s1 =	rddreg [dreg:$0x0];
	(pc) =	sbr.rel @p0 .LBB2_7-.Ltmp0, $4  }
0x6: {  	s2 =	rddreg [dreg:$0x1]  }
0x7: {  	s4 =	rddreg [dreg:$0x2];
	s5 =	simm.s32 $0x0  }
0x8: {  	[smem:$0x7FF] =	sst s5  }
0x9: {  	s0 =	rddreg [dreg:$0x3];
	_ =	strace $0x80000047  }
0xa: {  	s6 =	ssub.s32 $0x2, s6;
	s8 =	simm.s32 $0x80;
	s9 =	simm.s32 $0x100  }
0xb: {  	s10 =	simm.s32 $0x1;
	s11 =	simm.s32 $0x200;
	s7 =	sshrl.u32 s6, $0x1  }
0xc: {  	v0 =	vlaneseq.u32;
	s12 =	simm.s32 $0x300;
	s13 =	simm.s32 $0x4300;
	s7 =	ssub.s32 s6, s7  }
0xd: {  	v1 =	vimm.f32 $0.0e+00;
	s14 =	simm.s32 $0x0;
	v2 =	vmul.u32 $0x400, v0;
	s6 =	sadd.s32 $0x10, s1;
	s7 =	smax.u32 s7, $0x1  }
.LBB2_2:
0xe: {  	s15 =	simm.s32 $0x0  }
0xf: {  	[tilespmem:s15], [sflag:$0x1] =	stream.strided.gather [hbm4b:s1+s8], $0x100, s9, s8, $0x38;
	[tilespmem:$0x4700] =	vst v63  }
0x10: {  	_ =	swait.ge [sflag:s10], $0x100  }
0x11: {  	[sflag:s10] =	ssyncset.done $0x0  }
0x12: {  	[sflag:s10] =	ssyncadd.s32 $0xFFFFFF00  }
0x13: {  	[tilespmem:s9], [sflag:$0x1] =	stream.strided.gather [hbm4b:s6+s8], $0x100, s9, s8, $0x38;
	[tilespmem:$0x4700] =	vst v63  }
0x14: {  	_ =	swait.ge [sflag:s10], $0x100  }
0x15: {  	[sflag:s10] =	ssyncset.done $0x0  }
0x16: {  	[sflag:s10] =	ssyncadd.s32 $0xFFFFFF00  }
0x17: {  	[tilespmem:s11], [sflag:$0x1] =	stream.linear.gather [hbm4b:s2+s15], $0x100, $0x38;
	[tilespmem:$0x4700] =	vst v63  }
0x18: {  	_ =	swait.ge [sflag:s10], $0x100  }
0x19: {  	[sflag:s10] =	ssyncset.done $0x0  }
0x1a: {  	s16 =	simm.s32 $0x200;
	s15 =	simm.s32 $0x0;
	[sflag:s10] =	ssyncadd.s32 $0xFFFFFF00  }
.LBB2_3:
0x1b: {  	p0 =	sne.s32 s16, $0xFE00;
	[tilespmem:s15+$0x370] =	vst v1  }
0x1c: {  	[tilespmem:s15+$0x300] =	vst v1  }
0x1d: {  	[tilespmem:s15+$0x310] =	vst v1  }
.Ltmp1:
0x1e: {  	[tilespmem:s15+$0x320] =	vst v1;
	(pc) =	sbr.rel @p0 .LBB2_3-.Ltmp1, $4  }
0x1f: {  	[tilespmem:s15+$0x330] =	vst v1  }
0x20: {  	[tilespmem:s15+$0x340] =	vst v1  }
0x21: {  	[tilespmem:s15+$0x350] =	vst v1  }
0x22: {  	[tilespmem:s15+$0x360] =	vst v1;
	s15 =	sshra.s32 s16, $0x2;
	s16 =	sadd.s32 $0x200, s16  }
0x23: {  	[tilespmem:s15+$0x370] =	vst v1  }
0x24: {  	[tilespmem:s15+$0x300] =	vst v1  }
0x25: {  	[tilespmem:s15+$0x310] =	vst v1  }
0x26: {  	[tilespmem:s15+$0x320] =	vst v1  }
0x27: {  	[tilespmem:s15+$0x330] =	vst v1  }
0x28: {  	[tilespmem:s15+$0x340] =	vst v1  }
0x29: {  	[tilespmem:s15+$0x350] =	vst v1  }
0x2a: {  	[tilespmem:s15+$0x360] =	vst v1  }
0x2b: {  	v3 =	vld [tilespmem:$0x0]  }
0x2c: {  	v4 =	vld [tilespmem:$0x100];
	_ =	sdelay $0x3  }
0x2d: {  	v3 =	vshll.u32 v3, $0x5  }
0x2e: {  	v3 =	vadd.s32 v3, v4  }
0x2f: {  	v38 =	vld [tilespmem:$0x200];
	v3 =	vadd.s32 v2, v3;
	_ =	sdelay $0x4  }
0x30: {  	[tilespmem:v3+s12+$0x0] =	vst.idx.add.f32.msk $0xffff, v38  }
0x31: {  	v3 =	vld [tilespmem:$0x10]  }
0x32: {  	v4 =	vld [tilespmem:$0x110];
	_ =	sdelay $0x3  }
0x33: {  	v3 =	vshll.u32 v3, $0x5  }
0x34: {  	v3 =	vadd.s32 v3, v4  }
0x35: {  	v39 =	vld [tilespmem:$0x210];
	v3 =	vadd.s32 v2, v3;
	_ =	sdelay $0x4  }
0x36: {  	[tilespmem:v3+s12+$0x0] =	vst.idx.add.f32.msk $0xffff, v39  }
0x37: {  	v3 =	vld [tilespmem:$0x20]  }
0x38: {  	v4 =	vld [tilespmem:$0x120];
	_ =	sdelay $0x3  }
0x39: {  	v3 =	vshll.u32 v3, $0x5  }
0x3a: {  	v3 =	vadd.s32 v3, v4  }
0x3b: {  	v40 =	vld [tilespmem:$0x220];
	v3 =	vadd.s32 v2, v3;
	_ =	sdelay $0x4  }
0x3c: {  	[tilespmem:v3+s12+$0x0] =	vst.idx.add.f32.msk $0xffff, v40  }
0x3d: {  	v3 =	vld [tilespmem:$0x30]  }
0x3e: {  	v4 =	vld [tilespmem:$0x130];
	_ =	sdelay $0x3  }
0x3f: {  	v3 =	vshll.u32 v3, $0x5  }
0x40: {  	v3 =	vadd.s32 v3, v4  }
0x41: {  	v41 =	vld [tilespmem:$0x230];
	v3 =	vadd.s32 v2, v3;
	_ =	sdelay $0x4  }
0x42: {  	[tilespmem:v3+s12+$0x0] =	vst.idx.add.f32.msk $0xffff, v41  }
0x43: {  	v3 =	vld [tilespmem:$0x40]  }
0x44: {  	v4 =	vld [tilespmem:$0x140];
	_ =	sdelay $0x3  }
0x45: {  	v3 =	vshll.u32 v3, $0x5  }
0x46: {  	v3 =	vadd.s32 v3, v4  }
0x47: {  	v42 =	vld [tilespmem:$0x240];
	v3 =	vadd.s32 v2, v3;
	_ =	sdelay $0x4  }
0x48: {  	[tilespmem:v3+s12+$0x0] =	vst.idx.add.f32.msk $0xffff, v42  }
0x49: {  	v3 =	vld [tilespmem:$0x50]  }
0x4a: {  	v4 =	vld [tilespmem:$0x150];
	_ =	sdelay $0x3  }
0x4b: {  	v3 =	vshll.u32 v3, $0x5  }
0x4c: {  	v3 =	vadd.s32 v3, v4  }
0x4d: {  	v43 =	vld [tilespmem:$0x250];
	v3 =	vadd.s32 v2, v3;
	_ =	sdelay $0x4  }
0x4e: {  	[tilespmem:v3+s12+$0x0] =	vst.idx.add.f32.msk $0xffff, v43  }
0x4f: {  	v3 =	vld [tilespmem:$0x60]  }
0x50: {  	v4 =	vld [tilespmem:$0x160];
	_ =	sdelay $0x3  }
0x51: {  	v3 =	vshll.u32 v3, $0x5  }
0x52: {  	v3 =	vadd.s32 v3, v4  }
0x53: {  	v44 =	vld [tilespmem:$0x260];
	v3 =	vadd.s32 v2, v3;
	_ =	sdelay $0x4  }
0x54: {  	[tilespmem:v3+s12+$0x0] =	vst.idx.add.f32.msk $0xffff, v44  }
0x55: {  	v3 =	vld [tilespmem:$0x70]  }
0x56: {  	v4 =	vld [tilespmem:$0x170];
	_ =	sdelay $0x3  }
0x57: {  	v3 =	vshll.u32 v3, $0x5  }
0x58: {  	v3 =	vadd.s32 v3, v4  }
0x59: {  	v45 =	vld [tilespmem:$0x270];
	v3 =	vadd.s32 v2, v3;
	_ =	sdelay $0x4  }
0x5a: {  	[tilespmem:v3+s12+$0x0] =	vst.idx.add.f32.msk $0xffff, v45  }
0x5b: {  	v3 =	vld [tilespmem:$0x80]  }
0x5c: {  	v4 =	vld [tilespmem:$0x180];
	_ =	sdelay $0x3  }
0x5d: {  	v3 =	vshll.u32 v3, $0x5  }
0x5e: {  	v3 =	vadd.s32 v3, v4  }
0x5f: {  	v46 =	vld [tilespmem:$0x280];
	v3 =	vadd.s32 v2, v3;
	_ =	sdelay $0x4  }
0x60: {  	[tilespmem:v3+s12+$0x0] =	vst.idx.add.f32.msk $0xffff, v46  }
0x61: {  	v3 =	vld [tilespmem:$0x90]  }
0x62: {  	v4 =	vld [tilespmem:$0x190];
	_ =	sdelay $0x3  }
0x63: {  	v3 =	vshll.u32 v3, $0x5  }
0x64: {  	v3 =	vadd.s32 v3, v4  }
0x65: {  	v47 =	vld [tilespmem:$0x290];
	v3 =	vadd.s32 v2, v3;
	_ =	sdelay $0x4  }
0x66: {  	[tilespmem:v3+s12+$0x0] =	vst.idx.add.f32.msk $0xffff, v47  }
0x67: {  	v3 =	vld [tilespmem:$0xA0]  }
0x68: {  	v4 =	vld [tilespmem:$0x1A0];
	_ =	sdelay $0x3  }
0x69: {  	v3 =	vshll.u32 v3, $0x5  }
0x6a: {  	v3 =	vadd.s32 v3, v4  }
0x6b: {  	v48 =	vld [tilespmem:$0x2A0];
	v3 =	vadd.s32 v2, v3;
	_ =	sdelay $0x4  }
0x6c: {  	[tilespmem:v3+s12+$0x0] =	vst.idx.add.f32.msk $0xffff, v48  }
0x6d: {  	v3 =	vld [tilespmem:$0xB0]  }
0x6e: {  	v4 =	vld [tilespmem:$0x1B0];
	_ =	sdelay $0x3  }
0x6f: {  	v3 =	vshll.u32 v3, $0x5  }
0x70: {  	v3 =	vadd.s32 v3, v4  }
0x71: {  	v49 =	vld [tilespmem:$0x2B0];
	v3 =	vadd.s32 v2, v3;
	_ =	sdelay $0x4  }
0x72: {  	[tilespmem:v3+s12+$0x0] =	vst.idx.add.f32.msk $0xffff, v49  }
0x73: {  	v3 =	vld [tilespmem:$0xC0]  }
0x74: {  	v4 =	vld [tilespmem:$0x1C0];
	_ =	sdelay $0x3  }
0x75: {  	v3 =	vshll.u32 v3, $0x5  }
0x76: {  	v3 =	vadd.s32 v3, v4  }
0x77: {  	v50 =	vld [tilespmem:$0x2C0];
	v3 =	vadd.s32 v2, v3;
	_ =	sdelay $0x3  }
0x78: {  	s31 =	simm.s32 $0x0  }
0x79: {  	s16 =	sand.u32 $0x3F0, s31;
	[tilespmem:v3+s12+$0x0] =	vst.idx.add.f32.msk $0x3, v50  }
0x7a: {  	v3 =	vor.u32 s31, v0;
	v4 =	vld [tilespmem:s16+$0x300]  }
0x7b: {  	v3 =	vmul.u32 $0x3E0F83E1, v3  }
0x7c: {  	v5 =	vld [tilespmem:s16+$0x700]  }
0x7d: {  	vm0 =	vle.u32 v3, $0x7C1F07C  }
0x7e: {  	v6 =	vld [tilespmem:s16+$0xB00];
	v3 =	vsel vm0, $0x3F800000, v1  }
0x7f: {  	v3 =	vadd.f32 v4, v3  }
0x80: {  	v51 =	vld [tilespmem:s16+$0xF00]  }
0x81: {  	v3 =	vadd.f32 v5, v3  }
0x82: {  	v52 =	vld [tilespmem:s16+$0x1300]  }
0x83: {  	v3 =	vadd.f32 v6, v3  }
0x84: {  	v53 =	vld [tilespmem:s16+$0x1700]  }
0x85: {  	v3 =	vadd.f32 v51, v3  }
0x86: {  	v54 =	vld [tilespmem:s16+$0x1B00]  }
0x87: {  	v3 =	vadd.f32 v52, v3  }
0x88: {  	v55 =	vld [tilespmem:s16+$0x1F00]  }
0x89: {  	v3 =	vadd.f32 v53, v3  }
0x8a: {  	v56 =	vld [tilespmem:s16+$0x2300]  }
0x8b: {  	v3 =	vadd.f32 v54, v3  }
0x8c: {  	v57 =	vld [tilespmem:s16+$0x2700]  }
0x8d: {  	v3 =	vadd.f32 v55, v3  }
0x8e: {  	v58 =	vld [tilespmem:s16+$0x2B00]  }
0x8f: {  	v3 =	vadd.f32 v56, v3  }
0x90: {  	v59 =	vld [tilespmem:s16+$0x2F00]  }
0x91: {  	v3 =	vadd.f32 v57, v3  }
0x92: {  	v60 =	vld [tilespmem:s16+$0x3300]  }
0x93: {  	v3 =	vadd.f32 v58, v3  }
0x94: {  	v61 =	vld [tilespmem:s16+$0x3700]  }
0x95: {  	v3 =	vadd.f32 v59, v3  }
0x96: {  	v62 =	vld [tilespmem:s16+$0x3B00]  }
0x97: {  	v3 =	vadd.f32 v60, v3  }
0x98: {  	v63 =	vld [tilespmem:s16+$0x3F00]  }
0x99: {  	v3 =	vadd.f32 v61, v3;
	_ =	sdelay $0x1  }
0x9a: {  	v3 =	vadd.f32 v62, v3;
	_ =	sdelay $0x1  }
0x9b: {  	v3 =	vadd.f32 v63, v3  }
0x9c: {  	s15 =	simm.s32 $0x4300;
	s17 =	simm.s32 $0x10  }
0x9d: {  	s18 =	simm.s32 $0x20;
	s16 =	sand.u32 $0x3F0, s17;
	[tilespmem:s15+$0x0] =	vst v3  }
.LBB2_5:
0x9e: {  	p0 =	sne.s32 s18, $0x3F0;
	v3 =	vor.u32 s17, v0;
	v4 =	vld [tilespmem:s16+$0x300];
	s17 =	smov.u32 s18  }
0x9f: {  	v3 =	vmul.u32 $0x3E0F83E1, v3  }
0xa0: {  	v5 =	vld [tilespmem:s16+$0x700]  }
0xa1: {  	vm0 =	vle.u32 v3, $0x7C1F07C  }
0xa2: {  	v3 =	vsel vm0, $0x3F800000, v1;
	v6 =	vld [tilespmem:s16+$0xB00]  }
0xa3: {  	v3 =	vadd.f32 v4, v3  }
0xa4: {  	v4 =	vld [tilespmem:s16+$0xF00]  }
0xa5: {  	v3 =	vadd.f32 v5, v3  }
0xa6: {  	v5 =	vld [tilespmem:s16+$0x1300]  }
0xa7: {  	v3 =	vadd.f32 v6, v3  }
0xa8: {  	v6 =	vld [tilespmem:s16+$0x1700]  }
0xa9: {  	v3 =	vadd.f32 v4, v3  }
0xaa: {  	v4 =	vld [tilespmem:s16+$0x1B00]  }
0xab: {  	v3 =	vadd.f32 v5, v3  }
0xac: {  	v5 =	vld [tilespmem:s16+$0x1F00]  }
0xad: {  	v3 =	vadd.f32 v6, v3  }
0xae: {  	v6 =	vld [tilespmem:s16+$0x2300]  }
0xaf: {  	v3 =	vadd.f32 v4, v3  }
0xb0: {  	v4 =	vld [tilespmem:s16+$0x2700]  }
0xb1: {  	v3 =	vadd.f32 v5, v3  }
0xb2: {  	v5 =	vld [tilespmem:s16+$0x2B00]  }
0xb3: {  	v3 =	vadd.f32 v6, v3  }
0xb4: {  	v6 =	vld [tilespmem:s16+$0x2F00]  }
0xb5: {  	v3 =	vadd.f32 v4, v3  }
0xb6: {  	v4 =	vld [tilespmem:s16+$0x3300]  }
0xb7: {  	v3 =	vadd.f32 v5, v3  }
0xb8: {  	v5 =	vld [tilespmem:s16+$0x3700]  }
0xb9: {  	v3 =	vadd.f32 v6, v3  }
0xba: {  	v6 =	vld [tilespmem:s16+$0x3B00]  }
0xbb: {  	v3 =	vadd.f32 v4, v3  }
0xbc: {  	v4 =	vld [tilespmem:s16+$0x3F00]  }
0xbd: {  	v3 =	vadd.f32 v5, v3;
	_ =	sdelay $0x1  }
.Ltmp2:
0xbe: {  	v3 =	vadd.f32 v6, v3;
	(pc) =	sbr.rel @p0 .LBB2_5-.Ltmp2, $4  }
0xbf: {  	_ = 	snop  }
0xc0: {  	v3 =	vadd.f32 v4, v3  }
0xc1: {  	s15 =	sadd.s32 $0x10, s15  }
0xc2: {  	s18 =	sadd.s32 $0x10, s18;
	s16 =	sand.u32 $0x3F0, s17;
	[tilespmem:s15+$0x0] =	vst v3  }
0xc3: {  	v3 =	vor.u32 s17, v0;
	v4 =	vld [tilespmem:s16+$0x300]  }
0xc4: {  	v3 =	vmul.u32 $0x3E0F83E1, v3  }
0xc5: {  	v5 =	vld [tilespmem:s16+$0x700]  }
0xc6: {  	vm0 =	vle.u32 v3, $0x7C1F07C  }
0xc7: {  	v6 =	vld [tilespmem:s16+$0xB00];
	v3 =	vsel vm0, $0x3F800000, v1  }
0xc8: {  	v3 =	vadd.f32 v4, v3  }
0xc9: {  	v51 =	vld [tilespmem:s16+$0xF00]  }
0xca: {  	v3 =	vadd.f32 v5, v3  }
0xcb: {  	v52 =	vld [tilespmem:s16+$0x1300]  }
0xcc: {  	v3 =	vadd.f32 v6, v3  }
0xcd: {  	v53 =	vld [tilespmem:s16+$0x1700]  }
0xce: {  	v3 =	vadd.f32 v51, v3  }
0xcf: {  	v54 =	vld [tilespmem:s16+$0x1B00]  }
0xd0: {  	v3 =	vadd.f32 v52, v3  }
0xd1: {  	v55 =	vld [tilespmem:s16+$0x1F00]  }
0xd2: {  	v3 =	vadd.f32 v53, v3  }
0xd3: {  	v56 =	vld [tilespmem:s16+$0x2300]  }
0xd4: {  	v3 =	vadd.f32 v54, v3  }
0xd5: {  	v57 =	vld [tilespmem:s16+$0x2700]  }
0xd6: {  	v3 =	vadd.f32 v55, v3  }
0xd7: {  	v58 =	vld [tilespmem:s16+$0x2B00]  }
0xd8: {  	v3 =	vadd.f32 v56, v3  }
0xd9: {  	v59 =	vld [tilespmem:s16+$0x2F00]  }
0xda: {  	v3 =	vadd.f32 v57, v3  }
0xdb: {  	v60 =	vld [tilespmem:s16+$0x3300]  }
0xdc: {  	v3 =	vadd.f32 v58, v3  }
0xdd: {  	v61 =	vld [tilespmem:s16+$0x3700]  }
0xde: {  	v3 =	vadd.f32 v59, v3  }
0xdf: {  	v62 =	vld [tilespmem:s16+$0x3B00]  }
0xe0: {  	v3 =	vadd.f32 v60, v3  }
0xe1: {  	v63 =	vld [tilespmem:s16+$0x3F00]  }
0xe2: {  	v3 =	vadd.f32 v61, v3;
	_ =	sdelay $0x1  }
0xe3: {  	v3 =	vadd.f32 v62, v3;
	_ =	sdelay $0x1  }
0xe4: {  	s14 =	sadd.s32 $0x1, s14;
	v3 =	vadd.f32 v63, v3  }
0xe5: {  	s15 =	sadd.s32 $0x10, s15;
	p0 =	sne.s32 s14, s7  }
.Ltmp3:
0xe6: {  	[tilespmem:s15+$0x0] =	vst v3;
	(pc) =	sbr.rel @p0 .LBB2_2-.Ltmp3, $4  }
0xe7: {  	[hbm4b:s4+s5] =	stream.linear.scatter [tilespmem:s13], [sflag:$0x1], $0x400, $0x38;
	[tilespmem:$0x4700] =	vst v63  }
0xe8: {  	_ =	swait.ge [sflag:s10], $0x400  }
0xe9: {  	[sflag:s10] =	ssyncset.done $0x0  }
0xea: {  	[sflag:s10] =	ssyncadd.s32 $0xFFFFFC00  }
.LBB2_7:
0xeb: {  	_ =	sfence.sel $0x180000  }
0xec: {  	[bflag:$0x0] =	sbarrier.arrive $0xFFFF  }
0xed: {  	p0 =	sne.s32 s3, $0x0;
	_ =	strace $0x90000047  }
0xee: {  	s0 =	sadd.s32 @!p0 $0x100000, s0;
	[bflag:$0x2] =	sbarrier.arrive $0xFFFF  }
0xef: {  	[sflag:s0] =	ssyncadd.tile.s32 @!p0 $0x1;
	_ =	shalt  }
.Lfunc_end2:
_tile_overlayer_lowered:
.L_overlay_start_2:
0xf0: {  	(tag) =	ssettag $0x2  }
0xf1: {  	s0 =	rddreg [dreg:$0x0];
	s2 =	stileid.u32  }
0xf2: {  	s1 =	rddreg [dreg:$0x1];
	p0 =	sne.s32 s2, $0x0  }
0xf3: {  	s3 =	rddreg [dreg:$0x2];
	[bflag:$0x3] =	sbarrier.arrive $0xFFFF;
	s2 =	simm.s32 @!p0 $0x1C01  }
0xf4: {  	[timem:s3], [sflag:s2] =	dma.local @!p0 [hbm:s0], s1  }
0xf5: {  	s0 =	simm.s32 @!p0 $0x1  }
0xf6: {  	_ =	swait.ge @!p0 [sflag:s0], s1  }
0xf7: {  	s1 =	ssub.s32 @!p0 $0x0, s1;
	[sflag:s0] =	ssyncset.done @!p0 $0x0  }
0xf8: {  	[sflag:s0] =	ssyncadd.s32 @!p0 s1  }
0xf9: {  	[bflag:$0x3] =	sbarrier.arrive $0xFFFF  }
0xfa: {  	_ =	shalt  }

</sc_bundles>
